<compile_context>
chip_gen: v7x
topology: tpu7x:2x2x1
jax: 0.10.2.dev20260603
libtpu: 0.0.44.dev20260713+nightly
codegen_flags: <defaults>
</compile_context>

<pallas_src>
import functools

import jax
import jax.numpy as jnp
from jax import lax
from jax.experimental import pallas as pl
from jax.experimental.pallas import tpu as pltpu
from jax.experimental.pallas import tpu_sc as plsc

N_NODES = 10000
N_EDGES = 320000
D_FEAT = 128

NUM_CORES = 2
NUM_SUBCORES = 16
LANES = 16
NUM_WORKERS = NUM_CORES * NUM_SUBCORES
EDGES_MAIN = 9984
TAIL_START = NUM_WORKERS * EDGES_MAIN
TAIL_CHUNK = 128


def _node_table_body(h_ref, w1_ref, b1_ref, w2_ref, b2_ref, tab_ref):
    v = jnp.dot(w1_ref[...], w2_ref[...], preferred_element_type=jnp.float32)
    m = jnp.concatenate([v[:D_FEAT, :], v[D_FEAT:, :]], axis=1)
    cb = jnp.dot(b1_ref[...], w2_ref[...], preferred_element_type=jnp.float32)
    cb = cb + b2_ref[...]
    bias_row = jnp.concatenate([cb, jnp.zeros((1, 1), jnp.float32)], axis=1)
    r = jnp.dot(h_ref[...], m, preferred_element_type=jnp.float32) + bias_row
    tab_ref[...] = r.T.reshape(2, 1, N_NODES)


N_BLOCKS = 3
BLK = EDGES_MAIN // N_BLOCKS


def _edge_sum_body(
    tab_hbm,
    edges_hbm,
    out_hbm,
    a_v,
    b_v,
    e0_v,
    e1_v,
    t_v,
    o0_v,
    o1_v,
    outt_v,
    sem_a,
    sem_b,
    sem_e0,
    sem_e1,
    sem_o0,
    sem_o1,
    sem_x,
):
    wid = lax.axis_index("s") * NUM_CORES + lax.axis_index("c")
    base = pl.multiple_of(wid * EDGES_MAIN, 128)
    tail_base = pl.multiple_of(TAIL_START + wid * TAIL_CHUNK, 128)
    has_tail = wid < NUM_CORES * 2

    e_bufs = (e0_v, e1_v)
    e_sems = (sem_e0, sem_e1)
    o_bufs = (o0_v, o1_v)
    o_sems = (sem_o0, sem_o1)

    def stage(i):
        slot = i % 2
        pltpu.make_async_copy(
            edges_hbm.at[pl.ds(0, 2), pl.ds(base + i * BLK, BLK)],
            e_bufs[slot],
            e_sems[slot],
        ).start()

    cp_a = pltpu.make_async_copy(tab_hbm.at[0, 0], a_v, sem_a)
    cp_b = pltpu.make_async_copy(tab_hbm.at[1, 0], b_v, sem_b)
    cp_a.start()
    cp_b.start()
    stage(0)
    stage(1)
    cp_x = pltpu.make_async_copy(
        edges_hbm.at[pl.ds(0, 2), pl.ds(tail_base, TAIL_CHUNK)], t_v, sem_x
    )

    @pl.when(has_tail)
    def _():
        cp_x.start()

    cp_a.wait()
    cp_b.wait()

    for i in range(N_BLOCKS):
        slot = i % 2
        e_v = e_bufs[slot]
        o_v = o_bufs[slot]
        pltpu.make_async_copy(
            edges_hbm.at[pl.ds(0, 2), pl.ds(base + i * BLK, BLK)],
            e_v,
            e_sems[slot],
        ).wait()
        if i >= 2:
            pltpu.make_async_copy(
                o_v, out_hbm.at[0, pl.ds(base + (i - 2) * BLK, BLK)], o_sems[slot]
            ).wait()
        if i + 1 < N_BLOCKS:
            stage(i + 1)

        @plsc.parallel_loop(0, BLK, LANES, unroll=8)
        def step(off):
            si = e_v[0, pl.ds(off, LANES)]
            di = e_v[1, pl.ds(off, LANES)]
            av = plsc.load_gather(a_v, [si])
            bv = plsc.load_gather(b_v, [di])
            o_v[pl.ds(off, LANES)] = av + bv

        pltpu.make_async_copy(
            o_v, out_hbm.at[0, pl.ds(base + i * BLK, BLK)], o_sems[slot]
        ).start()

    @pl.when(has_tail)
    def _():
        cp_x.wait()

        @plsc.parallel_loop(0, TAIL_CHUNK, LANES, unroll=8)
        def tail_step(off):
            si = t_v[0, pl.ds(off, LANES)]
            di = t_v[1, pl.ds(off, LANES)]
            av = plsc.load_gather(a_v, [si])
            bv = plsc.load_gather(b_v, [di])
            outt_v[pl.ds(off, LANES)] = av + bv

        pltpu.sync_copy(outt_v, out_hbm.at[0, pl.ds(tail_base, TAIL_CHUNK)])

    for i in (N_BLOCKS - 2, N_BLOCKS - 1):
        slot = i % 2
        pltpu.make_async_copy(
            o_bufs[slot], out_hbm.at[0, pl.ds(base + i * BLK, BLK)], o_sems[slot]
        ).wait()


def kernel(hiddens, edges, W1, b1, W2, b2):
    tab = pl.pallas_call(
        _node_table_body,
        out_shape=jax.ShapeDtypeStruct((2, 1, N_NODES), jnp.float32),
    )(
        hiddens,
        W1,
        b1.reshape(1, 16),
        W2,
        b2.reshape(1, 1),
    )

    mesh = plsc.VectorSubcoreMesh(core_axis_name="c", subcore_axis_name="s")
    edge_sum = functools.partial(
        pl.kernel,
        out_type=jax.ShapeDtypeStruct((1, N_EDGES), jnp.float32),
        mesh=mesh,
        compiler_params=pltpu.CompilerParams(needs_layout_passes=False),
        scratch_types=[
            pltpu.VMEM((N_NODES,), jnp.float32),
            pltpu.VMEM((N_NODES,), jnp.float32),
            pltpu.VMEM((2, BLK), jnp.int32),
            pltpu.VMEM((2, BLK), jnp.int32),
            pltpu.VMEM((2, TAIL_CHUNK), jnp.int32),
            pltpu.VMEM((BLK,), jnp.float32),
            pltpu.VMEM((BLK,), jnp.float32),
            pltpu.VMEM((TAIL_CHUNK,), jnp.float32),
            pltpu.SemaphoreType.DMA,
            pltpu.SemaphoreType.DMA,
            pltpu.SemaphoreType.DMA,
            pltpu.SemaphoreType.DMA,
            pltpu.SemaphoreType.DMA,
            pltpu.SemaphoreType.DMA,
            pltpu.SemaphoreType.DMA,
        ],
    )(_edge_sum_body)

    logits = edge_sum(tab, edges.astype(jnp.int32))
    return logits.reshape(N_EDGES, 1)

# --- scband reference (transcript-rebuilt; emitter-appended) ---
"""Pipeline reference for scband-fuse-link-prediction-15075335209312 (READ-ONLY COPY).

The authoritative reference and input builder live on the scoring server;
editing this copy changes nothing except your own understanding.
"""

import jax, jax.numpy as jnp
import numpy as np

N_NODES = 10000
N_EDGES = 320000
D_FEAT = 128

def setup_inputs(seed: int = 0) -> dict:
    key = jax.random.key(seed)
    k1, k2, k3, k4, k5, k6 = jax.random.split(key, 6)
    hiddens = jax.random.normal(k1, (N_NODES, D_FEAT), dtype=jnp.float32)
    edges = jax.random.randint(k2, (2, N_EDGES), 0, N_NODES, dtype=jnp.int64)
    # Dense1: in 2*D_FEAT -> 16 (glorot-uniform style init)
    fan_in1 = 2 * D_FEAT
    lim1 = np.sqrt(6.0 / (fan_in1 + 16))
    W1 = jax.random.uniform(k3, (fan_in1, 16), minval=-lim1, maxval=lim1, dtype=jnp.float32)
    b1 = jnp.zeros((16,), dtype=jnp.float32)
    lim2 = np.sqrt(6.0 / (16 + 1))
    W2 = jax.random.uniform(k4, (16, 1), minval=-lim2, maxval=lim2, dtype=jnp.float32)
    b2 = jnp.zeros((1,), dtype=jnp.float32)
    return {"hiddens": hiddens, "edges": edges, "W1": W1, "b1": b1, "W2": W2, "b2": b2}

def reference(hiddens, edges, W1, b1, W2, b2):
    # tf.concat(hiddens, axis=-1): hiddens is a single tensor here -> identity
    x = jnp.concatenate([hiddens], axis=-1)
    src = edges[0]
    dst = edges[1]
    src_representations = jnp.take(x, src, axis=0)
    dst_representations = jnp.take(x, dst, axis=0)
    edge_representations = jnp.concatenate((src_representations, dst_representations), axis=-1)
    h = edge_representations @ W1 + b1
    logits = h @ W2 + b2
    return logits

if __name__ == "__main__":
    import jax
    _d = setup_inputs()
    print(jax.jit(kernel)(*tuple(_d.values())))

</pallas_src>

<mosaic_0001>
#map = affine_map<(d0, d1) -> (0, 0, 0)>
#map1 = affine_map<(d0, d1) -> (0, 0)>
module attributes {stable_mosaic.version = 14 : i64} {
  func.func @_edge_sum_body(%arg0: i32, %arg1: i32, %arg2: memref<2x1x10000xf32, #tpu.memory_space<hbm>>, %arg3: memref<2x320000xi32, #tpu.memory_space<hbm>>, %arg4: memref<1x320000xf32, #tpu.memory_space<hbm>>, %arg5: memref<10000xf32, #tpu.memory_space<vmem>>, %arg6: memref<10000xf32, #tpu.memory_space<vmem>>, %arg7: memref<2x3328xi32, #tpu.memory_space<vmem>>, %arg8: memref<2x3328xi32, #tpu.memory_space<vmem>>, %arg9: memref<2x128xi32, #tpu.memory_space<vmem>>, %arg10: memref<3328xf32, #tpu.memory_space<vmem>>, %arg11: memref<3328xf32, #tpu.memory_space<vmem>>, %arg12: memref<128xf32, #tpu.memory_space<vmem>>, %arg13: memref<!tpu.dma_semaphore, #tpu.memory_space<semaphore_mem>>, %arg14: memref<!tpu.dma_semaphore, #tpu.memory_space<semaphore_mem>>, %arg15: memref<!tpu.dma_semaphore, #tpu.memory_space<semaphore_mem>>, %arg16: memref<!tpu.dma_semaphore, #tpu.memory_space<semaphore_mem>>, %arg17: memref<!tpu.dma_semaphore, #tpu.memory_space<semaphore_mem>>, %arg18: memref<!tpu.dma_semaphore, #tpu.memory_space<semaphore_mem>>, %arg19: memref<!tpu.dma_semaphore, #tpu.memory_space<semaphore_mem>>) attributes {dimension_semantics = [#tpu.dimension_semantics<core_parallel>, #tpu.dimension_semantics<subcore_parallel>], iteration_bounds = array<i64: 2, 16>, scalar_prefetch = 0 : i64, scratch_operands = 15 : i64, tpu.core_type = #tpu.core_type<sc_vector_subcore>, window_params = [{transform_indices = #map}, {transform_indices = #map1}, {transform_indices = #map1}]} {
    %mul3A = arith.constant 2 : i32
    %mul3A_0 = arith.muli %arg1, %mul3A : i32
    %add3A = arith.addi %mul3A_0, %arg0 : i32
    %mul3A_1 = arith.constant 9984 : i32
    %mul3A_2 = arith.muli %add3A, %mul3A_1 : i32
    %multiple_of3A = tpu.assume_multiple %mul3A_2, 128 : i32
    %mul3A_3 = arith.constant 128 : i32
    %mul3A_4 = arith.muli %add3A, %mul3A_3 : i32
    %add3A_5 = arith.constant 319488 : i32
    %add3A_6 = arith.addi %add3A_5, %mul3A_4 : i32
    %multiple_of3A_7 = tpu.assume_multiple %add3A_6, 128 : i32
    %lt3A = arith.constant 4 : i32
    %lt3A_8 = arith.cmpi slt, %add3A, %lt3A : i32
    %dma_start3A = arith.constant 0 : i32
    %dma_start3A_9 = arith.constant 0 : i32
    %dma_start3A_10 = arith.constant 0 : i32
    %dma_start3A_11 = tpu.memref_slice %arg2[%dma_start3A, %dma_start3A_9, %dma_start3A_10] : memref<2x1x10000xf32, #tpu.memory_space<hbm>> -> memref<1x1x10000xf32, #tpu.memory_space<hbm>>
    %dma_start3A_12 = tpu.memref_squeeze %dma_start3A_11 : memref<1x1x10000xf32, #tpu.memory_space<hbm>> -> memref<10000xf32, #tpu.memory_space<hbm>>
    %dma_start3A_13 = arith.constant 0 : i32
    %dma_start3A_14 = tpu.memref_slice %arg2[%dma_start3A, %dma_start3A_9, %dma_start3A_13] : memref<2x1x10000xf32, #tpu.memory_space<hbm>> -> memref<1x1x10000xf32, #tpu.memory_space<hbm>>
    %dma_start3A_15 = tpu.memref_squeeze %dma_start3A_14 : memref<1x1x10000xf32, #tpu.memory_space<hbm>> -> memref<10000xf32, #tpu.memory_space<hbm>>
    tpu.enqueue_dma source(%dma_start3A_15 : memref<10000xf32, #tpu.memory_space<hbm>>) target(%arg5 : memref<10000xf32, #tpu.memory_space<vmem>>) target_semaphore(%arg13 : memref<!tpu.dma_semaphore, #tpu.memory_space<semaphore_mem>>)
    %dma_start3A_16 = arith.constant 1 : i32
    %dma_start3A_17 = arith.constant 0 : i32
    %dma_start3A_18 = arith.constant 0 : i32
    %dma_start3A_19 = tpu.memref_slice %arg2[%dma_start3A_16, %dma_start3A_17, %dma_start3A_18] : memref<2x1x10000xf32, #tpu.memory_space<hbm>> -> memref<1x1x10000xf32, #tpu.memory_space<hbm>>
    %dma_start3A_20 = tpu.memref_squeeze %dma_start3A_19 : memref<1x1x10000xf32, #tpu.memory_space<hbm>> -> memref<10000xf32, #tpu.memory_space<hbm>>
    %dma_start3A_21 = arith.constant 0 : i32
    %dma_start3A_22 = tpu.memref_slice %arg2[%dma_start3A_16, %dma_start3A_17, %dma_start3A_21] : memref<2x1x10000xf32, #tpu.memory_space<hbm>> -> memref<1x1x10000xf32, #tpu.memory_space<hbm>>
    %dma_start3A_23 = tpu.memref_squeeze %dma_start3A_22 : memref<1x1x10000xf32, #tpu.memory_space<hbm>> -> memref<10000xf32, #tpu.memory_space<hbm>>
    tpu.enqueue_dma source(%dma_start3A_23 : memref<10000xf32, #tpu.memory_space<hbm>>) target(%arg6 : memref<10000xf32, #tpu.memory_space<vmem>>) target_semaphore(%arg14 : memref<!tpu.dma_semaphore, #tpu.memory_space<semaphore_mem>>)
    %add3A_24 = arith.constant 0 : i32
    %add3A_25 = arith.addi %multiple_of3A, %add3A_24 : i32
    %dma_start3A_26 = arith.constant 0 : i32
    %dma_start3A_27 = tpu.memref_slice %arg3[%dma_start3A_26, %add3A_25] : memref<2x320000xi32, #tpu.memory_space<hbm>> -> memref<2x3328xi32, #tpu.memory_space<hbm>>
    %dma_start3A_28 = arith.constant 0 : i32
    %dma_start3A_29 = tpu.memref_slice %arg3[%dma_start3A_28, %add3A_25] : memref<2x320000xi32, #tpu.memory_space<hbm>> -> memref<2x3328xi32, #tpu.memory_space<hbm>>
    tpu.enqueue_dma source(%dma_start3A_29 : memref<2x3328xi32, #tpu.memory_space<hbm>>) target(%arg7 : memref<2x3328xi32, #tpu.memory_space<vmem>>) target_semaphore(%arg15 : memref<!tpu.dma_semaphore, #tpu.memory_space<semaphore_mem>>)
    %add3A_30 = arith.constant 3328 : i32
    %add3A_31 = arith.addi %multiple_of3A, %add3A_30 : i32
    %dma_start3A_32 = arith.constant 0 : i32
    %dma_start3A_33 = tpu.memref_slice %arg3[%dma_start3A_32, %add3A_31] : memref<2x320000xi32, #tpu.memory_space<hbm>> -> memref<2x3328xi32, #tpu.memory_space<hbm>>
    %dma_start3A_34 = arith.constant 0 : i32
    %dma_start3A_35 = tpu.memref_slice %arg3[%dma_start3A_34, %add3A_31] : memref<2x320000xi32, #tpu.memory_space<hbm>> -> memref<2x3328xi32, #tpu.memory_space<hbm>>
    tpu.enqueue_dma source(%dma_start3A_35 : memref<2x3328xi32, #tpu.memory_space<hbm>>) target(%arg8 : memref<2x3328xi32, #tpu.memory_space<vmem>>) target_semaphore(%arg16 : memref<!tpu.dma_semaphore, #tpu.memory_space<semaphore_mem>>)
    %convert_element_type3A = arith.extui %lt3A_8 : i1 to i32
    %cond3A = arith.constant 0 : i32
    %cond3A_36 = arith.cmpi ne, %convert_element_type3A, %cond3A : i32
    scf.if %cond3A_36 {
      %dma_start3A_135 = arith.constant 0 : i32
      %dma_start3A_136 = tpu.memref_slice %arg3[%dma_start3A_135, %multiple_of3A_7] : memref<2x320000xi32, #tpu.memory_space<hbm>> -> memref<2x128xi32, #tpu.memory_space<hbm>>
      %dma_start3A_137 = arith.constant 0 : i32
      %dma_start3A_138 = tpu.memref_slice %arg3[%dma_start3A_137, %multiple_of3A_7] : memref<2x320000xi32, #tpu.memory_space<hbm>> -> memref<2x128xi32, #tpu.memory_space<hbm>>
      tpu.enqueue_dma source(%dma_start3A_138 : memref<2x128xi32, #tpu.memory_space<hbm>>) target(%arg9 : memref<2x128xi32, #tpu.memory_space<vmem>>) target_semaphore(%arg19 : memref<!tpu.dma_semaphore, #tpu.memory_space<semaphore_mem>>)
    } else {
    }
    %dma_wait3A = arith.constant 0 : i32
    %dma_wait3A_37 = arith.constant 0 : i32
    %dma_wait3A_38 = arith.constant 0 : i32
    %dma_wait3A_39 = tpu.memref_slice %arg2[%dma_wait3A, %dma_wait3A_37, %dma_wait3A_38] : memref<2x1x10000xf32, #tpu.memory_space<hbm>> -> memref<1x1x10000xf32, #tpu.memory_space<hbm>>
    %dma_wait3A_40 = tpu.memref_squeeze %dma_wait3A_39 : memref<1x1x10000xf32, #tpu.memory_space<hbm>> -> memref<10000xf32, #tpu.memory_space<hbm>>
    %dma_wait3A_41 = arith.constant 0 : i32
    %dma_wait3A_42 = tpu.memref_slice %arg2[%dma_wait3A, %dma_wait3A_37, %dma_wait3A_41] : memref<2x1x10000xf32, #tpu.memory_space<hbm>> -> memref<1x1x10000xf32, #tpu.memory_space<hbm>>
    %dma_wait3A_43 = tpu.memref_squeeze %dma_wait3A_42 : memref<1x1x10000xf32, #tpu.memory_space<hbm>> -> memref<10000xf32, #tpu.memory_space<hbm>>
    tpu.wait_dma2 semaphore(%arg13 : memref<!tpu.dma_semaphore, #tpu.memory_space<semaphore_mem>>) src(%dma_wait3A_43 : memref<10000xf32, #tpu.memory_space<hbm>>) dst(%arg5 : memref<10000xf32, #tpu.memory_space<vmem>>)
    %dma_wait3A_44 = arith.constant 1 : i32
    %dma_wait3A_45 = arith.constant 0 : i32
    %dma_wait3A_46 = arith.constant 0 : i32
    %dma_wait3A_47 = tpu.memref_slice %arg2[%dma_wait3A_44, %dma_wait3A_45, %dma_wait3A_46] : memref<2x1x10000xf32, #tpu.memory_space<hbm>> -> memref<1x1x10000xf32, #tpu.memory_space<hbm>>
    %dma_wait3A_48 = tpu.memref_squeeze %dma_wait3A_47 : memref<1x1x10000xf32, #tpu.memory_space<hbm>> -> memref<10000xf32, #tpu.memory_space<hbm>>
    %dma_wait3A_49 = arith.constant 0 : i32
    %dma_wait3A_50 = tpu.memref_slice %arg2[%dma_wait3A_44, %dma_wait3A_45, %dma_wait3A_49] : memref<2x1x10000xf32, #tpu.memory_space<hbm>> -> memref<1x1x10000xf32, #tpu.memory_space<hbm>>
    %dma_wait3A_51 = tpu.memref_squeeze %dma_wait3A_50 : memref<1x1x10000xf32, #tpu.memory_space<hbm>> -> memref<10000xf32, #tpu.memory_space<hbm>>
    tpu.wait_dma2 semaphore(%arg14 : memref<!tpu.dma_semaphore, #tpu.memory_space<semaphore_mem>>) src(%dma_wait3A_51 : memref<10000xf32, #tpu.memory_space<hbm>>) dst(%arg6 : memref<10000xf32, #tpu.memory_space<vmem>>)
    %add3A_52 = arith.constant 0 : i32
    %add3A_53 = arith.addi %multiple_of3A, %add3A_52 : i32
    %dma_wait3A_54 = arith.constant 0 : i32
    %dma_wait3A_55 = tpu.memref_slice %arg3[%dma_wait3A_54, %add3A_53] : memref<2x320000xi32, #tpu.memory_space<hbm>> -> memref<2x3328xi32, #tpu.memory_space<hbm>>
    %dma_wait3A_56 = arith.constant 0 : i32
    %dma_wait3A_57 = tpu.memref_slice %arg3[%dma_wait3A_56, %add3A_53] : memref<2x320000xi32, #tpu.memory_space<hbm>> -> memref<2x3328xi32, #tpu.memory_space<hbm>>
    tpu.wait_dma2 semaphore(%arg15 : memref<!tpu.dma_semaphore, #tpu.memory_space<semaphore_mem>>) src(%dma_wait3A_57 : memref<2x3328xi32, #tpu.memory_space<hbm>>) dst(%arg7 : memref<2x3328xi32, #tpu.memory_space<vmem>>)
    %add3A_58 = arith.constant 3328 : i32
    %add3A_59 = arith.addi %multiple_of3A, %add3A_58 : i32
    %dma_start3A_60 = arith.constant 0 : i32
    %dma_start3A_61 = tpu.memref_slice %arg3[%dma_start3A_60, %add3A_59] : memref<2x320000xi32, #tpu.memory_space<hbm>> -> memref<2x3328xi32, #tpu.memory_space<hbm>>
    %dma_start3A_62 = arith.constant 0 : i32
    %dma_start3A_63 = tpu.memref_slice %arg3[%dma_start3A_62, %add3A_59] : memref<2x320000xi32, #tpu.memory_space<hbm>> -> memref<2x3328xi32, #tpu.memory_space<hbm>>
    tpu.enqueue_dma source(%dma_start3A_63 : memref<2x3328xi32, #tpu.memory_space<hbm>>) target(%arg8 : memref<2x3328xi32, #tpu.memory_space<vmem>>) target_semaphore(%arg16 : memref<!tpu.dma_semaphore, #tpu.memory_space<semaphore_mem>>)
    %parallel_loop3A = arith.constant 0 : i32
    %parallel_loop3A_64 = arith.constant 3328 : i32
    %parallel_loop3A_65 = arith.constant 16 : i32
    scf.for %parallel_loop3A_135 = %parallel_loop3A to %parallel_loop3A_64 step %parallel_loop3A_65  : i32 {
      %parallel_loop3A_136 = arith.constant 0 : i32
      %parallel_loop3A_137 = arith.index_cast %parallel_loop3A_136 : i32 to index
      %parallel_loop3A_138 = arith.index_cast %parallel_loop3A_135 : i32 to index
      %parallel_loop3A_139 = tpu.vector_load %arg7[%parallel_loop3A_137, %parallel_loop3A_138] {strides = array<i32>} : memref<2x3328xi32, #tpu.memory_space<vmem>>, vector<16xi32>,
      %parallel_loop3A_140 = arith.constant 1 : i32
      %parallel_loop3A_141 = arith.index_cast %parallel_loop3A_140 : i32 to index
      %parallel_loop3A_142 = arith.index_cast %parallel_loop3A_135 : i32 to index
      %parallel_loop3A_143 = tpu.vector_load %arg7[%parallel_loop3A_141, %parallel_loop3A_142] {strides = array<i32>} : memref<2x3328xi32, #tpu.memory_space<vmem>>, vector<16xi32>,
      %parallel_loop3A_144 = tpu.vector_load_idx %arg5[%parallel_loop3A_139] : memref<10000xf32, #tpu.memory_space<vmem>>[vector<16xi32>], vector<16xf32>,
      %parallel_loop3A_145 = tpu.vector_load_idx %arg6[%parallel_loop3A_143] : memref<10000xf32, #tpu.memory_space<vmem>>[vector<16xi32>], vector<16xf32>,
      %parallel_loop3A_146 = arith.addf %parallel_loop3A_144, %parallel_loop3A_145 : vector<16xf32>
      %parallel_loop3A_147 = arith.index_cast %parallel_loop3A_135 : i32 to index
      %parallel_loop3A_148 = tpu.vector_load %arg10[%parallel_loop3A_147] {strides = array<i32>} : memref<3328xf32, #tpu.memory_space<vmem>>, vector<16xf32>,
      tpu.vector_store %arg10[%parallel_loop3A_147], %parallel_loop3A_146 {strides = array<i32>} : memref<3328xf32, #tpu.memory_space<vmem>>, vector<16xf32>,
    } {sc.loop_unroll_factor = 8 : i64, sc.parallel_access}
    %add3A_66 = arith.constant 0 : i32
    %add3A_67 = arith.addi %multiple_of3A, %add3A_66 : i32
    %dma_start3A_68 = arith.constant 0 : i32
    %dma_start3A_69 = tpu.memref_slice %arg4[%dma_start3A_68, %add3A_67] : memref<1x320000xf32, #tpu.memory_space<hbm>> -> memref<1x3328xf32, #tpu.memory_space<hbm>>
    %dma_start3A_70 = tpu.memref_squeeze %dma_start3A_69 : memref<1x3328xf32, #tpu.memory_space<hbm>> -> memref<3328xf32, #tpu.memory_space<hbm>>
    %dma_start3A_71 = tpu.memref_slice %arg4[%dma_start3A_68, %add3A_67] : memref<1x320000xf32, #tpu.memory_space<hbm>> -> memref<1x3328xf32, #tpu.memory_space<hbm>>
    %dma_start3A_72 = tpu.memref_squeeze %dma_start3A_71 : memref<1x3328xf32, #tpu.memory_space<hbm>> -> memref<3328xf32, #tpu.memory_space<hbm>>
    tpu.enqueue_dma source(%arg10 : memref<3328xf32, #tpu.memory_space<vmem>>) target(%dma_start3A_72 : memref<3328xf32, #tpu.memory_space<hbm>>) target_semaphore(%arg17 : memref<!tpu.dma_semaphore, #tpu.memory_space<semaphore_mem>>)
    %add3A_73 = arith.constant 3328 : i32
    %add3A_74 = arith.addi %multiple_of3A, %add3A_73 : i32
    %dma_wait3A_75 = arith.constant 0 : i32
    %dma_wait3A_76 = tpu.memref_slice %arg3[%dma_wait3A_75, %add3A_74] : memref<2x320000xi32, #tpu.memory_space<hbm>> -> memref<2x3328xi32, #tpu.memory_space<hbm>>
    %dma_wait3A_77 = arith.constant 0 : i32
    %dma_wait3A_78 = tpu.memref_slice %arg3[%dma_wait3A_77, %add3A_74] : memref<2x320000xi32, #tpu.memory_space<hbm>> -> memref<2x3328xi32, #tpu.memory_space<hbm>>
    tpu.wait_dma2 semaphore(%arg16 : memref<!tpu.dma_semaphore, #tpu.memory_space<semaphore_mem>>) src(%dma_wait3A_78 : memref<2x3328xi32, #tpu.memory_space<hbm>>) dst(%arg8 : memref<2x3328xi32, #tpu.memory_space<vmem>>)
    %add3A_79 = arith.constant 6656 : i32
    %add3A_80 = arith.addi %multiple_of3A, %add3A_79 : i32
    %dma_start3A_81 = arith.constant 0 : i32
    %dma_start3A_82 = tpu.memref_slice %arg3[%dma_start3A_81, %add3A_80] : memref<2x320000xi32, #tpu.memory_space<hbm>> -> memref<2x3328xi32, #tpu.memory_space<hbm>>
    %dma_start3A_83 = arith.constant 0 : i32
    %dma_start3A_84 = tpu.memref_slice %arg3[%dma_start3A_83, %add3A_80] : memref<2x320000xi32, #tpu.memory_space<hbm>> -> memref<2x3328xi32, #tpu.memory_space<hbm>>
    tpu.enqueue_dma source(%dma_start3A_84 : memref<2x3328xi32, #tpu.memory_space<hbm>>) target(%arg7 : memref<2x3328xi32, #tpu.memory_space<vmem>>) target_semaphore(%arg15 : memref<!tpu.dma_semaphore, #tpu.memory_space<semaphore_mem>>)
    %parallel_loop3A_85 = arith.constant 0 : i32
    %parallel_loop3A_86 = arith.constant 3328 : i32
    %parallel_loop3A_87 = arith.constant 16 : i32
    scf.for %parallel_loop3A_135 = %parallel_loop3A_85 to %parallel_loop3A_86 step %parallel_loop3A_87  : i32 {
      %parallel_loop3A_136 = arith.constant 0 : i32
      %parallel_loop3A_137 = arith.index_cast %parallel_loop3A_136 : i32 to index
      %parallel_loop3A_138 = arith.index_cast %parallel_loop3A_135 : i32 to index
      %parallel_loop3A_139 = tpu.vector_load %arg8[%parallel_loop3A_137, %parallel_loop3A_138] {strides = array<i32>} : memref<2x3328xi32, #tpu.memory_space<vmem>>, vector<16xi32>,
      %parallel_loop3A_140 = arith.constant 1 : i32
      %parallel_loop3A_141 = arith.index_cast %parallel_loop3A_140 : i32 to index
      %parallel_loop3A_142 = arith.index_cast %parallel_loop3A_135 : i32 to index
      %parallel_loop3A_143 = tpu.vector_load %arg8[%parallel_loop3A_141, %parallel_loop3A_142] {strides = array<i32>} : memref<2x3328xi32, #tpu.memory_space<vmem>>, vector<16xi32>,
      %parallel_loop3A_144 = tpu.vector_load_idx %arg5[%parallel_loop3A_139] : memref<10000xf32, #tpu.memory_space<vmem>>[vector<16xi32>], vector<16xf32>,
      %parallel_loop3A_145 = tpu.vector_load_idx %arg6[%parallel_loop3A_143] : memref<10000xf32, #tpu.memory_space<vmem>>[vector<16xi32>], vector<16xf32>,
      %parallel_loop3A_146 = arith.addf %parallel_loop3A_144, %parallel_loop3A_145 : vector<16xf32>
      %parallel_loop3A_147 = arith.index_cast %parallel_loop3A_135 : i32 to index
      %parallel_loop3A_148 = tpu.vector_load %arg11[%parallel_loop3A_147] {strides = array<i32>} : memref<3328xf32, #tpu.memory_space<vmem>>, vector<16xf32>,
      tpu.vector_store %arg11[%parallel_loop3A_147], %parallel_loop3A_146 {strides = array<i32>} : memref<3328xf32, #tpu.memory_space<vmem>>, vector<16xf32>,
    } {sc.loop_unroll_factor = 8 : i64, sc.parallel_access}
    %add3A_88 = arith.constant 3328 : i32
    %add3A_89 = arith.addi %multiple_of3A, %add3A_88 : i32
    %dma_start3A_90 = arith.constant 0 : i32
    %dma_start3A_91 = tpu.memref_slice %arg4[%dma_start3A_90, %add3A_89] : memref<1x320000xf32, #tpu.memory_space<hbm>> -> memref<1x3328xf32, #tpu.memory_space<hbm>>
    %dma_start3A_92 = tpu.memref_squeeze %dma_start3A_91 : memref<1x3328xf32, #tpu.memory_space<hbm>> -> memref<3328xf32, #tpu.memory_space<hbm>>
    %dma_start3A_93 = tpu.memref_slice %arg4[%dma_start3A_90, %add3A_89] : memref<1x320000xf32, #tpu.memory_space<hbm>> -> memref<1x3328xf32, #tpu.memory_space<hbm>>
    %dma_start3A_94 = tpu.memref_squeeze %dma_start3A_93 : memref<1x3328xf32, #tpu.memory_space<hbm>> -> memref<3328xf32, #tpu.memory_space<hbm>>
    tpu.enqueue_dma source(%arg11 : memref<3328xf32, #tpu.memory_space<vmem>>) target(%dma_start3A_94 : memref<3328xf32, #tpu.memory_space<hbm>>) target_semaphore(%arg18 : memref<!tpu.dma_semaphore, #tpu.memory_space<semaphore_mem>>)
    %add3A_95 = arith.constant 6656 : i32
    %add3A_96 = arith.addi %multiple_of3A, %add3A_95 : i32
    %dma_wait3A_97 = arith.constant 0 : i32
    %dma_wait3A_98 = tpu.memref_slice %arg3[%dma_wait3A_97, %add3A_96] : memref<2x320000xi32, #tpu.memory_space<hbm>> -> memref<2x3328xi32, #tpu.memory_space<hbm>>
    %dma_wait3A_99 = arith.constant 0 : i32
    %dma_wait3A_100 = tpu.memref_slice %arg3[%dma_wait3A_99, %add3A_96] : memref<2x320000xi32, #tpu.memory_space<hbm>> -> memref<2x3328xi32, #tpu.memory_space<hbm>>
    tpu.wait_dma2 semaphore(%arg15 : memref<!tpu.dma_semaphore, #tpu.memory_space<semaphore_mem>>) src(%dma_wait3A_100 : memref<2x3328xi32, #tpu.memory_space<hbm>>) dst(%arg7 : memref<2x3328xi32, #tpu.memory_space<vmem>>)
    %add3A_101 = arith.constant 0 : i32
    %add3A_102 = arith.addi %multiple_of3A, %add3A_101 : i32
    %dma_wait3A_103 = arith.constant 0 : i32
    %dma_wait3A_104 = tpu.memref_slice %arg4[%dma_wait3A_103, %add3A_102] : memref<1x320000xf32, #tpu.memory_space<hbm>> -> memref<1x3328xf32, #tpu.memory_space<hbm>>
    %dma_wait3A_105 = tpu.memref_squeeze %dma_wait3A_104 : memref<1x3328xf32, #tpu.memory_space<hbm>> -> memref<3328xf32, #tpu.memory_space<hbm>>
    %dma_wait3A_106 = tpu.memref_slice %arg4[%dma_wait3A_103, %add3A_102] : memref<1x320000xf32, #tpu.memory_space<hbm>> -> memref<1x3328xf32, #tpu.memory_space<hbm>>
    %dma_wait3A_107 = tpu.memref_squeeze %dma_wait3A_106 : memref<1x3328xf32, #tpu.memory_space<hbm>> -> memref<3328xf32, #tpu.memory_space<hbm>>
    tpu.wait_dma2 semaphore(%arg17 : memref<!tpu.dma_semaphore, #tpu.memory_space<semaphore_mem>>) src(%arg10 : memref<3328xf32, #tpu.memory_space<vmem>>) dst(%dma_wait3A_107 : memref<3328xf32, #tpu.memory_space<hbm>>)
    %parallel_loop3A_108 = arith.constant 0 : i32
    %parallel_loop3A_109 = arith.constant 3328 : i32
    %parallel_loop3A_110 = arith.constant 16 : i32
    scf.for %parallel_loop3A_135 = %parallel_loop3A_108 to %parallel_loop3A_109 step %parallel_loop3A_110  : i32 {
      %parallel_loop3A_136 = arith.constant 0 : i32
      %parallel_loop3A_137 = arith.index_cast %parallel_loop3A_136 : i32 to index
      %parallel_loop3A_138 = arith.index_cast %parallel_loop3A_135 : i32 to index
      %parallel_loop3A_139 = tpu.vector_load %arg7[%parallel_loop3A_137, %parallel_loop3A_138] {strides = array<i32>} : memref<2x3328xi32, #tpu.memory_space<vmem>>, vector<16xi32>,
      %parallel_loop3A_140 = arith.constant 1 : i32
      %parallel_loop3A_141 = arith.index_cast %parallel_loop3A_140 : i32 to index
      %parallel_loop3A_142 = arith.index_cast %parallel_loop3A_135 : i32 to index
      %parallel_loop3A_143 = tpu.vector_load %arg7[%parallel_loop3A_141, %parallel_loop3A_142] {strides = array<i32>} : memref<2x3328xi32, #tpu.memory_space<vmem>>, vector<16xi32>,
      %parallel_loop3A_144 = tpu.vector_load_idx %arg5[%parallel_loop3A_139] : memref<10000xf32, #tpu.memory_space<vmem>>[vector<16xi32>], vector<16xf32>,
      %parallel_loop3A_145 = tpu.vector_load_idx %arg6[%parallel_loop3A_143] : memref<10000xf32, #tpu.memory_space<vmem>>[vector<16xi32>], vector<16xf32>,
      %parallel_loop3A_146 = arith.addf %parallel_loop3A_144, %parallel_loop3A_145 : vector<16xf32>
      %parallel_loop3A_147 = arith.index_cast %parallel_loop3A_135 : i32 to index
      %parallel_loop3A_148 = tpu.vector_load %arg10[%parallel_loop3A_147] {strides = array<i32>} : memref<3328xf32, #tpu.memory_space<vmem>>, vector<16xf32>,
      tpu.vector_store %arg10[%parallel_loop3A_147], %parallel_loop3A_146 {strides = array<i32>} : memref<3328xf32, #tpu.memory_space<vmem>>, vector<16xf32>,
    } {sc.loop_unroll_factor = 8 : i64, sc.parallel_access}
    %add3A_111 = arith.constant 6656 : i32
    %add3A_112 = arith.addi %multiple_of3A, %add3A_111 : i32
    %dma_start3A_113 = arith.constant 0 : i32
    %dma_start3A_114 = tpu.memref_slice %arg4[%dma_start3A_113, %add3A_112] : memref<1x320000xf32, #tpu.memory_space<hbm>> -> memref<1x3328xf32, #tpu.memory_space<hbm>>
    %dma_start3A_115 = tpu.memref_squeeze %dma_start3A_114 : memref<1x3328xf32, #tpu.memory_space<hbm>> -> memref<3328xf32, #tpu.memory_space<hbm>>
    %dma_start3A_116 = tpu.memref_slice %arg4[%dma_start3A_113, %add3A_112] : memref<1x320000xf32, #tpu.memory_space<hbm>> -> memref<1x3328xf32, #tpu.memory_space<hbm>>
    %dma_start3A_117 = tpu.memref_squeeze %dma_start3A_116 : memref<1x3328xf32, #tpu.memory_space<hbm>> -> memref<3328xf32, #tpu.memory_space<hbm>>
    tpu.enqueue_dma source(%arg10 : memref<3328xf32, #tpu.memory_space<vmem>>) target(%dma_start3A_117 : memref<3328xf32, #tpu.memory_space<hbm>>) target_semaphore(%arg17 : memref<!tpu.dma_semaphore, #tpu.memory_space<semaphore_mem>>)
    %convert_element_type3A_118 = arith.extui %lt3A_8 : i1 to i32
    %cond3A_119 = arith.constant 0 : i32
    %cond3A_120 = arith.cmpi ne, %convert_element_type3A_118, %cond3A_119 : i32
    scf.if %cond3A_120 {
      %dma_wait3A_135 = arith.constant 0 : i32
      %dma_wait3A_136 = tpu.memref_slice %arg3[%dma_wait3A_135, %multiple_of3A_7] : memref<2x320000xi32, #tpu.memory_space<hbm>> -> memref<2x128xi32, #tpu.memory_space<hbm>>
      %dma_wait3A_137 = arith.constant 0 : i32
      %dma_wait3A_138 = tpu.memref_slice %arg3[%dma_wait3A_137, %multiple_of3A_7] : memref<2x320000xi32, #tpu.memory_space<hbm>> -> memref<2x128xi32, #tpu.memory_space<hbm>>
      tpu.wait_dma2 semaphore(%arg19 : memref<!tpu.dma_semaphore, #tpu.memory_space<semaphore_mem>>) src(%dma_wait3A_138 : memref<2x128xi32, #tpu.memory_space<hbm>>) dst(%arg9 : memref<2x128xi32, #tpu.memory_space<vmem>>)
      %parallel_loop3A_139 = arith.constant 0 : i32
      %parallel_loop3A_140 = arith.constant 128 : i32
      %parallel_loop3A_141 = arith.constant 16 : i32
      scf.for %parallel_loop3A_142 = %parallel_loop3A_139 to %parallel_loop3A_140 step %parallel_loop3A_141  : i32 {
        %parallel_loop3A_143 = arith.constant 0 : i32
        %parallel_loop3A_144 = arith.index_cast %parallel_loop3A_143 : i32 to index
        %parallel_loop3A_145 = arith.index_cast %parallel_loop3A_142 : i32 to index
        %parallel_loop3A_146 = tpu.vector_load %arg9[%parallel_loop3A_144, %parallel_loop3A_145] {strides = array<i32>} : memref<2x128xi32, #tpu.memory_space<vmem>>, vector<16xi32>,
        %parallel_loop3A_147 = arith.constant 1 : i32
        %parallel_loop3A_148 = arith.index_cast %parallel_loop3A_147 : i32 to index
        %parallel_loop3A_149 = arith.index_cast %parallel_loop3A_142 : i32 to index
        %parallel_loop3A_150 = tpu.vector_load %arg9[%parallel_loop3A_148, %parallel_loop3A_149] {strides = array<i32>} : memref<2x128xi32, #tpu.memory_space<vmem>>, vector<16xi32>,
        %parallel_loop3A_151 = tpu.vector_load_idx %arg5[%parallel_loop3A_146] : memref<10000xf32, #tpu.memory_space<vmem>>[vector<16xi32>], vector<16xf32>,
        %parallel_loop3A_152 = tpu.vector_load_idx %arg6[%parallel_loop3A_150] : memref<10000xf32, #tpu.memory_space<vmem>>[vector<16xi32>], vector<16xf32>,
        %parallel_loop3A_153 = arith.addf %parallel_loop3A_151, %parallel_loop3A_152 : vector<16xf32>
        %parallel_loop3A_154 = arith.index_cast %parallel_loop3A_142 : i32 to index
        %parallel_loop3A_155 = tpu.vector_load %arg12[%parallel_loop3A_154] {strides = array<i32>} : memref<128xf32, #tpu.memory_space<vmem>>, vector<16xf32>,
        tpu.vector_store %arg12[%parallel_loop3A_154], %parallel_loop3A_153 {strides = array<i32>} : memref<128xf32, #tpu.memory_space<vmem>>, vector<16xf32>,
      } {sc.loop_unroll_factor = 8 : i64, sc.parallel_access}
      %run_scoped3A = arith.constant 0 : i32
      "tpu.region"() ({
        %run_scoped3A_142 = tpu.sem_alloc : memref<!tpu.dma_semaphore, #tpu.memory_space<semaphore_mem>>
        %dma_start3A_143 = tpu.memref_slice %arg4[%run_scoped3A, %multiple_of3A_7] : memref<1x320000xf32, #tpu.memory_space<hbm>> -> memref<1x128xf32, #tpu.memory_space<hbm>>
        %dma_start3A_144 = tpu.memref_squeeze %dma_start3A_143 : memref<1x128xf32, #tpu.memory_space<hbm>> -> memref<128xf32, #tpu.memory_space<hbm>>
        %dma_start3A_145 = tpu.memref_slice %arg4[%run_scoped3A, %multiple_of3A_7] : memref<1x320000xf32, #tpu.memory_space<hbm>> -> memref<1x128xf32, #tpu.memory_space<hbm>>
        %dma_start3A_146 = tpu.memref_squeeze %dma_start3A_145 : memref<1x128xf32, #tpu.memory_space<hbm>> -> memref<128xf32, #tpu.memory_space<hbm>>
        tpu.enqueue_dma source(%arg12 : memref<128xf32, #tpu.memory_space<vmem>>) target(%dma_start3A_146 : memref<128xf32, #tpu.memory_space<hbm>>) target_semaphore(%run_scoped3A_142 : memref<!tpu.dma_semaphore, #tpu.memory_space<semaphore_mem>>)
        %dma_wait3A_147 = tpu.memref_slice %arg4[%run_scoped3A, %multiple_of3A_7] : memref<1x320000xf32, #tpu.memory_space<hbm>> -> memref<1x128xf32, #tpu.memory_space<hbm>>
        %dma_wait3A_148 = tpu.memref_squeeze %dma_wait3A_147 : memref<1x128xf32, #tpu.memory_space<hbm>> -> memref<128xf32, #tpu.memory_space<hbm>>
        %dma_wait3A_149 = tpu.memref_slice %arg4[%run_scoped3A, %multiple_of3A_7] : memref<1x320000xf32, #tpu.memory_space<hbm>> -> memref<1x128xf32, #tpu.memory_space<hbm>>
        %dma_wait3A_150 = tpu.memref_squeeze %dma_wait3A_149 : memref<1x128xf32, #tpu.memory_space<hbm>> -> memref<128xf32, #tpu.memory_space<hbm>>
        tpu.wait_dma2 semaphore(%run_scoped3A_142 : memref<!tpu.dma_semaphore, #tpu.memory_space<semaphore_mem>>) src(%arg12 : memref<128xf32, #tpu.memory_space<vmem>>) dst(%dma_wait3A_150 : memref<128xf32, #tpu.memory_space<hbm>>)
        tpu.yield
      }) : () -> ()
    } else {
    }
    %add3A_121 = arith.constant 3328 : i32
    %add3A_122 = arith.addi %multiple_of3A, %add3A_121 : i32
    %dma_wait3A_123 = arith.constant 0 : i32
    %dma_wait3A_124 = tpu.memref_slice %arg4[%dma_wait3A_123, %add3A_122] : memref<1x320000xf32, #tpu.memory_space<hbm>> -> memref<1x3328xf32, #tpu.memory_space<hbm>>
    %dma_wait3A_125 = tpu.memref_squeeze %dma_wait3A_124 : memref<1x3328xf32, #tpu.memory_space<hbm>> -> memref<3328xf32, #tpu.memory_space<hbm>>
    %dma_wait3A_126 = tpu.memref_slice %arg4[%dma_wait3A_123, %add3A_122] : memref<1x320000xf32, #tpu.memory_space<hbm>> -> memref<1x3328xf32, #tpu.memory_space<hbm>>
    %dma_wait3A_127 = tpu.memref_squeeze %dma_wait3A_126 : memref<1x3328xf32, #tpu.memory_space<hbm>> -> memref<3328xf32, #tpu.memory_space<hbm>>
    tpu.wait_dma2 semaphore(%arg18 : memref<!tpu.dma_semaphore, #tpu.memory_space<semaphore_mem>>) src(%arg11 : memref<3328xf32, #tpu.memory_space<vmem>>) dst(%dma_wait3A_127 : memref<3328xf32, #tpu.memory_space<hbm>>)
    %add3A_128 = arith.constant 6656 : i32
    %add3A_129 = arith.addi %multiple_of3A, %add3A_128 : i32
    %dma_wait3A_130 = arith.constant 0 : i32
    %dma_wait3A_131 = tpu.memref_slice %arg4[%dma_wait3A_130, %add3A_129] : memref<1x320000xf32, #tpu.memory_space<hbm>> -> memref<1x3328xf32, #tpu.memory_space<hbm>>
    %dma_wait3A_132 = tpu.memref_squeeze %dma_wait3A_131 : memref<1x3328xf32, #tpu.memory_space<hbm>> -> memref<3328xf32, #tpu.memory_space<hbm>>
    %dma_wait3A_133 = tpu.memref_slice %arg4[%dma_wait3A_130, %add3A_129] : memref<1x320000xf32, #tpu.memory_space<hbm>> -> memref<1x3328xf32, #tpu.memory_space<hbm>>
    %dma_wait3A_134 = tpu.memref_squeeze %dma_wait3A_133 : memref<1x3328xf32, #tpu.memory_space<hbm>> -> memref<3328xf32, #tpu.memory_space<hbm>>
    tpu.wait_dma2 semaphore(%arg17 : memref<!tpu.dma_semaphore, #tpu.memory_space<semaphore_mem>>) src(%arg10 : memref<3328xf32, #tpu.memory_space<vmem>>) dst(%dma_wait3A_134 : memref<3328xf32, #tpu.memory_space<hbm>>)
    return
  }
}

module attributes {stable_mosaic.version = 14 : i64} {
  func.func @_node_table_body(%arg0: memref<10000x128xf32, #tpu.memory_space<vmem>>, %arg1: memref<256x16xf32, #tpu.memory_space<vmem>>, %arg2: memref<1x16xf32, #tpu.memory_space<vmem>>, %arg3: memref<16x1xf32, #tpu.memory_space<vmem>>, %arg4: memref<1x1xf32, #tpu.memory_space<vmem>>, %arg5: memref<2x1x10000xf32, #tpu.memory_space<vmem>>) attributes {dimension_semantics = [], scalar_prefetch = 0 : i64, scratch_operands = 0 : i64, tpu.core_type = #tpu.core_type<tc>} {
    %get3A = arith.constant 0 : index
    %get3A_0 = arith.constant 0 : index
    %get3A_1 = vector.load %arg1[%get3A, %get3A_0] : memref<256x16xf32, #tpu.memory_space<vmem>>, vector<256x16xf32>
    %get3A_2 = arith.constant 0 : index
    %get3A_3 = arith.constant 0 : index
    %get3A_4 = vector.load %arg3[%get3A_2, %get3A_3] : memref<16x1xf32, #tpu.memory_space<vmem>>, vector<16x1xf32>
    %dot_general3A = arith.constant dense<0.000000e+00> : vector<256x1xf32>
    %dot_general3A_5 = tpu.matmul %get3A_1, %get3A_4, %dot_general3A {dimension_numbers = #tpu.dot_dimension_numbers<[1], [0], [0], [1], [0, 0, 1, 1], [], []>, transpose_lhs_hint = false} : vector<256x16xf32>, vector<16x1xf32>, vector<256x1xf32> -> vector<256x1xf32>
    %slice3A = vector.extract_strided_slice %dot_general3A_5 {offsets = [0, 0], sizes = [128, 1], strides = [1, 1]} : vector<256x1xf32> to vector<128x1xf32>
    %slice3A_6 = vector.extract_strided_slice %dot_general3A_5 {offsets = [128, 0], sizes = [128, 1], strides = [1, 1]} : vector<256x1xf32> to vector<128x1xf32>
    %concatenate3A = tpu.concatenate %slice3A, %slice3A_6 in 1 : vector<128x1xf32>, vector<128x1xf32> -> vector<128x2xf32>
    %get3A_7 = arith.constant 0 : index
    %get3A_8 = arith.constant 0 : index
    %get3A_9 = vector.load %arg2[%get3A_7, %get3A_8] : memref<1x16xf32, #tpu.memory_space<vmem>>, vector<1x16xf32>
    %get3A_10 = arith.constant 0 : index
    %get3A_11 = arith.constant 0 : index
    %get3A_12 = vector.load %arg3[%get3A_10, %get3A_11] : memref<16x1xf32, #tpu.memory_space<vmem>>, vector<16x1xf32>
    %dot_general3A_13 = arith.constant dense<0.000000e+00> : vector<1x1xf32>
    %dot_general3A_14 = tpu.matmul %get3A_9, %get3A_12, %dot_general3A_13 {dimension_numbers = #tpu.dot_dimension_numbers<[1], [0], [0], [1], [0, 0, 1, 1], [], []>, transpose_lhs_hint = false} : vector<1x16xf32>, vector<16x1xf32>, vector<1x1xf32> -> vector<1x1xf32>
    %get3A_15 = arith.constant 0 : index
    %get3A_16 = arith.constant 0 : index
    %get3A_17 = vector.load %arg4[%get3A_15, %get3A_16] : memref<1x1xf32, #tpu.memory_space<vmem>>, vector<1x1xf32>
    %add3A = arith.addf %dot_general3A_14, %get3A_17 : vector<1x1xf32>
    %broadcast_in_dim3A = arith.constant 0.000000e+00 : f32
    %broadcast_in_dim3A_18 = vector.broadcast %broadcast_in_dim3A : f32 to vector<1x1xf32>
    %concatenate3A_19 = tpu.concatenate %add3A, %broadcast_in_dim3A_18 in 1 : vector<1x1xf32>, vector<1x1xf32> -> vector<1x2xf32>
    %get3A_20 = arith.constant 0 : index
    %get3A_21 = arith.constant 0 : index
    %get3A_22 = vector.load %arg0[%get3A_20, %get3A_21] : memref<10000x128xf32, #tpu.memory_space<vmem>>, vector<10000x128xf32>
    %dot_general3A_23 = arith.constant dense<0.000000e+00> : vector<10000x2xf32>
    %dot_general3A_24 = tpu.matmul %get3A_22, %concatenate3A, %dot_general3A_23 {dimension_numbers = #tpu.dot_dimension_numbers<[1], [0], [0], [1], [0, 0, 1, 1], [], []>, transpose_lhs_hint = false} : vector<10000x128xf32>, vector<128x2xf32>, vector<10000x2xf32> -> vector<10000x2xf32>
    %add3A_25 = vector.broadcast %concatenate3A_19 : vector<1x2xf32> to vector<10000x2xf32>
    %add3A_26 = arith.addf %dot_general3A_24, %add3A_25 : vector<10000x2xf32>
    %transpose3A = tpu.transpose %add3A_26, [1, 0] : vector<10000x2xf32> -> vector<2x10000xf32>
    %reshape3A = vector.shape_cast %transpose3A : vector<2x10000xf32> to vector<2x1x10000xf32>
    %swap3A = arith.constant 0 : index
    %swap3A_27 = arith.constant 0 : index
    %swap3A_28 = arith.constant 0 : index
    %swap3A_29 = vector.load %arg5[%swap3A, %swap3A_27, %swap3A_28] : memref<2x1x10000xf32, #tpu.memory_space<vmem>>, vector<2x1x10000xf32>
    tpu.vector_store %arg5[%swap3A, %swap3A_27, %swap3A_28], %reshape3A {strides = array<i32>} : memref<2x1x10000xf32, #tpu.memory_space<vmem>>, vector<2x1x10000xf32>,
    return
  }
}

</mosaic_0001>

<sc_bundles>
// kernel: kernel.4.cloned.1.call-start
scs
__scs_entry_jumppad:
0x0: {  	(pc) =	sbr.rel $0x88, $3  }
0x1: {  	(tag) =	ssettag $0x0;
	lr =	simm.s32 $0x1  }
0x2: {  	[smem:$0x3F9B] =	sst lr;
	_ =	strace $0xD0000000  }
0x3: {  	_ = 	snop  }
0x4: {  	_ = 	snop  }
0x5: {  	_ = 	snop  }
0x6: {  	_ = 	snop  }
0x7: {  	_ = 	snop  }
__scs_overlays_trampoline_lowered:
0x8: {  	[smem:$0x3FAA] =	sst s0  }
0x9: {  	[smem:$0x3FAB] =	sst s1  }
0xa: {  	[smem:$0x3FAC] =	sst s2  }
0xb: {  	[smem:$0x3FAD] =	sst s3  }
0xc: {  	[smem:$0x3FAE] =	sst s4  }
0xd: {  	[smem:$0x3FAF] =	sst s5  }
0xe: {  	[smem:$0x3FB0] =	sst s6  }
0xf: {  	[smem:$0x3FB1] =	sst s7  }
0x10: {  	[smem:$0x3FB2] =	sst s8  }
0x11: {  	[smem:$0x3FB3] =	sst s9;
	s0 =	simm.s32 @!p0 $0x0  }
0x12: {  	s1 =	sld [smem:$0x3F99];
	s0 =	simm.s32 @p0 $0x1  }
0x13: {  	[smem:$0x3FB4] =	sst s0;
	s0 =	simm.s32 @!p1 $0x0  }
0x14: {  	s2 =	sld [smem:$0x3F98];
	s0 =	simm.s32 @p1 $0x1  }
0x15: {  	[smem:$0x3FB5] =	sst s0;
	s0 =	simm.s32 @!p2 $0x0  }
0x16: {  	s3 =	sld [smem:$0x3FDB];
	s0 =	simm.s32 @p2 $0x1  }
0x17: {  	s4 =	simm.s32 $0x1BF5;
	[smem:$0x3FB7] =	sst s0  }
0x18: {  	s0 =	sld [smem:$0x3F9A];
	_ =	swait.ge [sflag:s4], $0x0  }
0x19: {  	s7 =	sld [smem:$0x3F9B]  }
0x1a: {  	s8 =	sadd.s32 $0xFFFFE003, lr  }
0x1b: {  	s9 =	sadd.s32 $0xFFFFFEF7, lr;
	s5 =	simm.s32 $0xFFFFFFFF;
	p2 =	slt.u32 s8, $0xFFFFF086  }
0x1c: {  	p1 =	slt.u32 s9, $0xF7A;
	s5 =	simm.s32 @!p2 $0x0  }
0x1d: {  	s5 =	simm.s32 @p1 $0x1;
	p0 =	seq.s32 s7, s2  }
0x1e: {  	s7 =	smul.u32 @!p0 $0xF7A, s2;
	p2 =	seq.s32 @!p0 s5, $0x0  }
0x1f: {  	s9 =	smul.u32 $0xF7A, s1;
	s8 =	simm.s32 @!p0 $0x1BF5;
	p2 =	por !p2, p0  }
0x20: {  	[sflag:s8] =	ssyncset.s32 @!p0 $0xFFFFF086;
	s6 =	sadd.s32 @!p0 s3, s7;
	s7 =	simm.s32 @!p0 $0x108  }
0x21: {  	s3 =	sadd.s32 s3, s9;
	s6 =	sadd.s32 @!p0 $0x88, s6;
	s7 =	simm.s32 @p2 $0x1082  }
0x22: {  	[simem:s7], [sflag:s8] =	dma.local @!p0 [hbm:s6], $0xF7A  }
0x23: {  	s9 =	sor.u32 $0xD0000000, s2;
	s6 =	simm.s32 $0x108;
	_ =	swait.ge @!p0 [sflag:s8], $0x0  }
0x24: {  	s3 =	sadd.s32 $0x88, s3;
	s6 =	simm.s32 @!p1 $0x1082;
	[sflag:s4] =	ssyncset.s32 $0xFFFFF086  }
0x25: {  	[simem:s6], [sflag:s4] =	dma.local [hbm:s3], $0xF7A  }
0x26: {  	[smem:$0x3F9B] =	sst s1;
	(tag) =	ssettag s2;
	_ =	strace s9  }
0x27: {  	s1 =	sld [smem:$0x3FAB]  }
0x28: {  	s2 =	sld [smem:$0x3FAC]  }
0x29: {  	s4 =	sld [smem:$0x3FAE]  }
0x2a: {  	p0 =	seq.s32 s5, $0x0;
	s5 =	sld [smem:$0x3FAF]  }
0x2b: {  	s6 =	sld [smem:$0x3FB0]  }
0x2c: {  	s7 =	sld [smem:$0x3FB1]  }
0x2d: {  	s3 =	simm.s32 $0x108;
	s8 =	sld [smem:$0x3FB2]  }
0x2e: {  	s3 =	simm.s32 @!p0 $0x1082;
	s9 =	sld [smem:$0x3FB3]  }
0x2f: {  	lr =	sadd.s32 s0, s3;
	s0 =	sld [smem:$0x3FAA]  }
0x30: {  	s3 =	sld [smem:$0x3FAD]  }
0x31: {  	[smem:$0x3FB6] =	sst s10  }
0x32: {  	s10 =	sld [smem:$0x3FB4];
	_ =	sdelay $0x3  }
0x33: {  	p0 =	seq.s32 s10, $0x1;
	s10 =	sld [smem:$0x3FB6];
	_ =	sdelay $0x3  }
0x34: {  	[smem:$0x3FB6] =	sst s10  }
0x35: {  	s10 =	sld [smem:$0x3FB5];
	_ =	sdelay $0x3  }
0x36: {  	p1 =	seq.s32 s10, $0x1;
	s10 =	sld [smem:$0x3FB6];
	_ =	sdelay $0x3  }
0x37: {  	[smem:$0x3FB6] =	sst s10  }
0x38: {  	s10 =	sld [smem:$0x3FB7]  }
0x39: {  	_ = 	snop;
	(pc) =	sbr.ind lr, $3  }
0x3a: {  	_ = 	snop  }
0x3b: {  	_ = 	snop  }
0x3c: {  	p2 =	seq.s32 s10, $0x1;
	s10 =	sld [smem:$0x3FB6]  }
0x3d: {  	_ =	shalt  }
0x3e: {  	_ =	shalt  }
0x3f: {  	_ =	shalt  }
0x40: {  	_ =	shalt  }
0x41: {  	_ =	shalt  }
0x42: {  	_ =	shalt  }
0x43: {  	_ =	shalt  }
0x44: {  	_ =	shalt  }
0x45: {  	_ =	shalt  }
0x46: {  	_ =	shalt  }
0x47: {  	_ =	shalt  }
0x48: {  	_ =	shalt  }
0x49: {  	_ =	shalt  }
0x4a: {  	_ =	shalt  }
0x4b: {  	_ =	shalt  }
0x4c: {  	_ =	shalt  }
0x4d: {  	_ =	shalt  }
0x4e: {  	_ =	shalt  }
0x4f: {  	_ =	shalt  }
0x50: {  	_ =	shalt  }
0x51: {  	_ =	shalt  }
0x52: {  	_ =	shalt  }
0x53: {  	_ =	shalt  }
0x54: {  	_ =	shalt  }
0x55: {  	_ =	shalt  }
0x56: {  	_ =	shalt  }
0x57: {  	_ =	shalt  }
0x58: {  	_ =	shalt  }
0x59: {  	_ =	shalt  }
0x5a: {  	_ =	shalt  }
0x5b: {  	_ =	shalt  }
0x5c: {  	_ =	shalt  }
0x5d: {  	_ =	shalt  }
0x5e: {  	_ =	shalt  }
0x5f: {  	_ =	shalt  }
0x60: {  	_ =	shalt  }
0x61: {  	_ =	shalt  }
0x62: {  	_ =	shalt  }
0x63: {  	_ =	shalt  }
0x64: {  	_ =	shalt  }
0x65: {  	_ =	shalt  }
0x66: {  	_ =	shalt  }
0x67: {  	_ =	shalt  }
0x68: {  	_ =	shalt  }
0x69: {  	_ =	shalt  }
0x6a: {  	_ =	shalt  }
0x6b: {  	_ =	shalt  }
0x6c: {  	_ =	shalt  }
0x6d: {  	_ =	shalt  }
0x6e: {  	_ =	shalt  }
0x6f: {  	_ =	shalt  }
0x70: {  	_ =	shalt  }
0x71: {  	_ =	shalt  }
0x72: {  	_ =	shalt  }
0x73: {  	_ =	shalt  }
0x74: {  	_ =	shalt  }
0x75: {  	_ =	shalt  }
0x76: {  	_ =	shalt  }
0x77: {  	_ =	shalt  }
0x78: {  	_ =	shalt  }
0x79: {  	_ =	shalt  }
0x7a: {  	_ =	shalt  }
0x7b: {  	_ =	shalt  }
0x7c: {  	_ =	shalt  }
0x7d: {  	_ =	shalt  }
0x7e: {  	_ =	shalt  }
0x7f: {  	_ =	shalt  }
0x80: {  	_ =	shalt  }
0x81: {  	_ =	shalt  }
0x82: {  	_ =	shalt  }
0x83: {  	_ =	shalt  }
0x84: {  	_ =	shalt  }
0x85: {  	_ =	shalt  }
0x86: {  	_ =	shalt  }
0x87: {  	_ =	shalt  }
.Lfunc_end0:
.L_simem_size_0:
called_computation_lowered:
.L_overlay_start_0:
0x88: {  	s2 =	sld [smem:$0x3FD9]  }
0x89: {  	s3 =	sld [smem:$0x3FFE];
	_ =	sdelay $0x1  }
0x8a: {  	s1 =	srdreg.scid  }
0x8b: {  	s0 =	sand.u32 $0x1, s1  }
0x8c: {  	s17 =	sshll.u32 s0, $0xA;
	s2 =	sadd.s32 s3, s2  }
0x8d: {  	s2 =	sadd.s32 s2, s17  }
0x8e: {  	[smem:$0x3FC2] =	sst s2  }
0x8f: {  	_ = 	snop  }
0x90: {  	s2 =	sld [smem:$0x3FC8]  }
0x91: {  	s18 =	sld [smem:$0x3FD0];
	(tm) =	ssettm $0x1  }
0x92: {  	s4 =	sld [smem:$0x3FFB];
	_ =	sdelay $0x3  }
0x93: {  	_ =	strace s4  }
0x94: {  	s4 =	sld [smem:$0x3FFC];
	_ =	sdelay $0x3  }
0x95: {  	_ =	strace s4  }
0x96: {  	s4 =	sld [smem:$0x3FFD];
	_ =	sdelay $0x3  }
0x97: {  	_ =	strace s4  }
0x98: {  	_ =	strace $0x8FFFFFFF  }
0x99: {  	s19 =	sld [smem:$0x3FDB];
	_ =	sdelay $0x1  }
0x9a: {  	s5 =	simm.s32 $_scs_section_size  }
0x9b: {  	s6 =	simm.s32 $_size__tile_overlayer_lowered;
	s7 =	simm.s32 $_tile_overlayer_lowered  }
0x9c: {  	s22 =	simm.s32 $0x1BFF;
	s21 =	sshll.u32 s7, $0x1;
	s4 =	sadd.s32 s5, s19  }
0x9d: {  	s8 =	simm.s32 $0x0;
	s20 =	sshll.u32 s6, $0x1;
	s6 =	sadd.s32 s21, s4  }
0x9e: {  	[timem:s8], [sflag:s22] =	dma.local [hbm:s6], s20  }
0x9f: {  	_ =	swait.ge [sflag:s22], s20  }
0xa0: {  	s5 =	ssub.s32 $0x0, s20;
	[sflag:s22] =	ssyncset.done $0x0  }
0xa1: {  	[sflag:s22] =	ssyncadd.s32 s5;
	_ =	sdelay $0x1  }
0xa2: {  	s23 =	simm.s32 $0x1B8B  }
0xa3: {  	_ =	swait.ge [sflag:s23], $0x1  }
0xa4: {  	[sflag:s23] =	ssyncset.done $0x0  }
0xa5: {  	s25 =	simm.s32 $0x1B8E;
	s24 =	sld [smem:$0x3FFE];
	[sflag:s23] =	ssyncadd.s32 $0xFFFFFFFF  }
0xa6: {  	s26 =	simm.s32 $execute0_lowered;
	[smem:$0x3FD2] =	sst s25  }
0xa7: {  	s6 =	sshll.u32 s26, $0x1;
	_ =	strace $0x80000046;
	[dreg:$0x1] =	wrdreg $0xFFFFFFFF  }
0xa8: {  	s28 =	simm.s32 $_size_execute0_lowered;
	s4 =	sadd.s32 s4, s6;
	[dreg:$0x0] =	wrdreg $0x0  }
0xa9: {  	s6 =	sshll.u32 s28, $0x1;
	[dreg:$0x2] =	wrdreg s4  }
0xaa: {  	[dreg:$0x3] =	wrdreg s6  }
0xab: {  	[dreg:$0x4] =	wrdreg $0xC0  }
0xac: {  	_ =	task [dreg:s8], $0x5FFFF  }
0xad: {  	[dreg:$0x1] =	wrdreg $0xFFFFFFFF  }
0xae: {  	[dreg:$0x0] =	wrdreg $0x60  }
0xaf: {  	[dreg:$0x2] =	wrdreg s24  }
0xb0: {  	[dreg:$0x3] =	wrdreg s2  }
0xb1: {  	[dreg:$0x4] =	wrdreg s18  }
0xb2: {  	[dreg:$0x5] =	wrdreg $0x9  }
0xb3: {  	_ =	task.clear_ibuf [dreg:s8], $0x6FFFF;
	_ =	strace $0x90000046  }
0xb4: {  	s29 =	simm.s32 $0x9;
	_ =	strace $0x80000048  }
0xb5: {  	_ =	swait.ge [sflag:s29], $0x1  }
0xb6: {  	[sflag:s29] =	ssyncadd.s32 $0xFFFFFFFF  }
0xb7: {  	_ =	strace $0x90000048  }
0xb8: {  	_ =	sfence  }
0xb9: {  	s30 =	sld [smem:$0x0];
	_ =	sdelay $0x2  }
0xba: {  	s31 =	sshll.u32 s1, $0xD;
	s1 =	sshrl.u32 s1, $0x2  }
0xbb: {  	s3 =	sand.u32 $0x4000, s31;
	s1 =	sadd.s32 s1, s30  }
0xbc: {  	s0 =	sor.u32 s3, s0;
	s1 =	sshll.u32 s1, $0x11  }
0xbd: {  	s0 =	sor.u32 s1, s0  }
0xbe: {  	s0 =	sadd.s32 $0x8F2B, s0  }
0xbf: {  	[sflag:s0] =	ssyncadd.remote.s32 $0x1  }
0xc0: {  	_ =	sfence.sel $0xFFFF  }
0xc1: {  	[dreg:$0x0] =	wrdreg $0xFFFFFFFF;
	(pc) =	sbr.abs _section_cstart, $3  }
0xc2: {  	[dreg:$0x1] =	wrdreg $0xFFFFFFFF  }
0xc3: {  	_ =	task.clear_ibuf [dreg:s8], $0x2FFFF;
	_ =	strace $0x9FFFFFFF  }
0xc4: {  	(tm) =	ssettm $0x7FFFFFFF  }
0xc5: {  	_ =	shalt  }
tec
execute0_lowered:
.L_overlay_start_1:
0x0: {  	(tag) =	ssettag $0x1  }
0x1: {  	s4 =	rddreg [dreg:$0x0]  }
0x2: {  	s9 =	rddreg [dreg:$0x1]  }
0x3: {  	s1 =	srdreg.scid;
	s0 =	stileid.u32  }
0x4: {  	s12 =	rddreg [dreg:$0x2];
	s2 =	simm.s32 $0x0;
	s16 =	simm.s32 $0x6900  }
0x5: {  	s17 =	simm.s32 $0x1;
	s18 =	simm.s32 $0x2;
	s19 =	simm.s32 $0x3  }
0x6: {  	s20 =	simm.s32 $0x8400;
	s21 =	simm.s32 $0x4;
	s22 =	simm.s32 $0x9100  }
0x7: {  	s23 =	simm.s32 $0x5;
	s3 =	sand.u32 $0x1, s1;
	s1 =	rddreg [dreg:$0x3]  }
0x8: {  	s24 =	simm.s32 $0x6;
	s5 =	sshll.u32 s0, $0x1;
	[smem:$0x7FF] =	sst s2  }
0x9: {  	p0 =	sgt.u32 s0, $0x1;
	s5 =	sor.u32 s3, s5;
	s6 =	ssub.s32 $0x2, s3  }
0xa: {  	_ =	strace $0x80000047;
	s3 =	sadd.s32 $0xA00, s4;
	s7 =	smul.u32 $0x2700, s5  }
0xb: {  	s8 =	sshrl.u32 s6, $0x1;
	s10 =	sshll.u32 s5, $0x7;
	s5 =	smul.u32 $0x9C0, s5  }
0xc: {  	s4 =	sadd.s32 $0xEF0, s4;
	s13 =	ssub.s32 s6, s8;
	s14 =	sor.u32 $0x4E000, s10  }
0xd: {  	s11 =	sadd.s32 $0xD00, s7;
	s5 =	sadd.s32 s9, s5;
	s26 =	sshrl.u32 s14, $0x2  }
0xe: {  	s28 =	sshrl.u32 s7, $0x3;
	s15 =	sadd.s32 $0x1A00, s7;
	s14 =	sshrl.u32 s14, $0x3  }
0xf: {  	s13 =	smax.u32 s13, $0x1;
	s25 =	sshrl.u32 s11, $0x2;
	s7 =	sadd.s32 s9, s26  }
0x10: {  	s8 =	sadd.s32 s12, s28;
	s29 =	sshrl.u32 s15, $0x2;
	s30 =	sshrl.u32 s11, $0x3  }
0x11: {  	s31 =	sshrl.u32 s15, $0x3;
	s15 =	simm.s32 $0x4F00;
	s6 =	sadd.s32 s9, s25  }
0x12: {  	s9 =	sadd.s32 s9, s29;
	s10 =	sadd.s32 s12, s30;
	s11 =	sadd.s32 s12, s31  }
0x13: {  	s12 =	sadd.s32 s12, s14;
	s14 =	simm.s32 $0x2780;
	s25 =	simm.s32 $0x0  }
.LBB2_1:
0x14: {  	[tilespmem:s2], [sflag:$0x1] =	stream.linear.gather [hbm4b:s3+s2], $0x2780, $0x38;
	[tilespmem:$0x9E80] =	vst v63  }
0x15: {  	_ = 	snop  }
0x16: {  	[tilespmem:s14], [sflag:$0x2] =	stream.linear.gather [hbm4b:s4+s2], $0x2780, $0x38;
	[tilespmem:$0x9E80] =	vst v63  }
0x17: {  	_ = 	snop  }
0x18: {  	[tilespmem:s15], [sflag:$0x3] =	stream.linear.gather [hbm4b:s5+s2], $0x1A00, $0x38;
	[tilespmem:$0x9E80] =	vst v63  }
0x19: {  	_ = 	snop  }
0x1a: {  	[tilespmem:s16], [sflag:$0x4] =	stream.linear.gather [hbm4b:s6+s2], $0x1A00, $0x38;
	[tilespmem:$0x9E80] =	vst v63  }
0x1b: {  	s26 =	simm.s32 @!p0 $0x0;
	s28 =	simm.s32 @!p0 $0x8300  }
0x1c: {  	[tilespmem:s28], [sflag:$0x7] =	stream.linear.gather @!p0 [hbm4b:s7+s26], $0x100, $0x38;
	[tilespmem:$0x9E80] =	vst v63  }
0x1d: {  	_ =	swait.ge [sflag:s17], $0x2780  }
0x1e: {  	[sflag:s17] =	ssyncset.done $0x0  }
0x1f: {  	[sflag:s17] =	ssyncadd.s32 $0xFFFFD880  }
0x20: {  	_ =	swait.ge [sflag:s18], $0x2780  }
0x21: {  	[sflag:s18] =	ssyncset.done $0x0  }
0x22: {  	[sflag:s18] =	ssyncadd.s32 $0xFFFFD880  }
0x23: {  	_ =	swait.ge [sflag:s19], $0x1A00  }
0x24: {  	[sflag:s19] =	ssyncset.done $0x0  }
0x25: {  	s31 =	simm.s32 $0x4F80;
	[sflag:s19] =	ssyncadd.s32 $0xFFFFE600  }
0x26: {  	[tilespmem:s16], [sflag:$0x4] =	stream.linear.gather [hbm4b:s6+s2], $0x1A00, $0x38;
	[tilespmem:$0x9E80] =	vst v63  }
0x27: {  	v0 =	vld [tilespmem:s31+$0xFFFFFFF0]  }
0x28: {  	v1 =	vld [tilespmem:s31+$0x70]  }
0x29: {  	v2 =	vld [tilespmem:s31+$0x0]  }
0x2a: {  	v3 =	vld [tilespmem:s31+$0xFFFFFF90]  }
0x2b: {  	v4 =	vld [tilespmem:s31+$0x10]  }
0x2c: {  	v5 =	vld [tilespmem:s31+$0xFFFFFFA0]  }
0x2d: {  	v6 =	vld [tilespmem:s31+$0x20]  }
0x2e: {  	v7 =	vld [tilespmem:s31+$0xFFFFFFB0]  }
0x2f: {  	v9 =	vld [tilespmem:s31+$0xFFFFFFC0]  }
0x30: {  	v10 =	vld [tilespmem:s31+$0x40]  }
0x31: {  	v11 =	vld [tilespmem:s31+$0xFFFFFFD0]  }
0x32: {  	v12 =	vld [tilespmem:s31+$0x50]  }
0x33: {  	v13 =	vld [tilespmem:s31+$0xFFFFFFE0]  }
0x34: {  	v14 =	vld [tilespmem:s31+$0x60]  }
0x35: {  	v15 =	vld [tilespmem:s31+$0xFFFFFF80]  }
0x36: {  	v8 =	vld.idx.msk [tilespmem:v0+s2+$0x0], $0xffff  }
0x37: {  	v1 =	vld.idx.msk [tilespmem:v1+s14+$0x0], $0xffff  }
0x38: {  	v0 =	vld [tilespmem:s31+$0x30]  }
0x39: {  	v16 =	vld.idx.msk [tilespmem:v2+s14+$0x0], $0xffff  }
0x3a: {  	v3 =	vld.idx.msk [tilespmem:v3+s2+$0x0], $0xffff  }
0x3b: {  	v4 =	vld.idx.msk [tilespmem:v4+s14+$0x0], $0xffff  }
0x3c: {  	v5 =	vld.idx.msk [tilespmem:v5+s2+$0x0], $0xffff  }
0x3d: {  	v6 =	vld.idx.msk [tilespmem:v6+s14+$0x0], $0xffff  }
0x3e: {  	v7 =	vld.idx.msk [tilespmem:v7+s2+$0x0], $0xffff  }
0x3f: {  	v15 =	vld.idx.msk [tilespmem:v15+s2+$0x0], $0xffff  }
0x40: {  	v17 =	vld.idx.msk [tilespmem:v0+s14+$0x0], $0xffff  }
0x41: {  	v2 =	vld.idx.msk [tilespmem:v10+s14+$0x0], $0xffff  }
0x42: {  	v8 =	vadd.f32 v1, v8;
	v1 =	vld.idx.msk [tilespmem:v11+s2+$0x0], $0xffff  }
0x43: {  	s26 =	simm.s32 $0x8440;
	v3 =	vadd.f32 v4, v3;
	v0 =	vld.idx.msk [tilespmem:v9+s2+$0x0], $0xffff  }
0x44: {  	v5 =	vadd.f32 v6, v5;
	v4 =	vld.idx.msk [tilespmem:v12+s14+$0x0], $0xffff;
	[tilespmem:s26+$0x30] =	vst v8  }
0x45: {  	[tilespmem:s26+$0xFFFFFFD0] =	vst v3;
	v3 =	vld.idx.msk [tilespmem:v13+s2+$0x0], $0xffff;
	v7 =	vadd.f32 v17, v7  }
0x46: {  	s29 =	simm.s32 $0x5080;
	s28 =	simm.s32 $0x0;
	v6 =	vadd.f32 v16, v15;
	[tilespmem:s26+$0xFFFFFFE0] =	vst v5;
	v5 =	vld.idx.msk [tilespmem:v14+s14+$0x0], $0xffff  }
.LBB2_2:
0x47: {  	v8 =	vld [tilespmem:s29+$0xFFFFFFF0];
	[tilespmem:s26+$0xFFFFFFF0] =	vst v7  }
0x48: {  	s28 =	sadd.s32 $0x80, s28;
	v0 =	vadd.f32 v2, v0;
	v7 =	vld [tilespmem:s29+$0x70];
	[tilespmem:s26+$0xFFFFFFC0] =	vst v6  }
0x49: {  	p1 =	slt.u32 s28, $0xC80;
	v2 =	vld [tilespmem:s29+$0x0]  }
0x4a: {  	v6 =	vld [tilespmem:s29+$0xFFFFFF90];
	[tilespmem:s26+$0x0] =	vst v0;
	v0 =	vadd.f32 v4, v1  }
0x4b: {  	v1 =	vld [tilespmem:s29+$0x10]  }
0x4c: {  	v4 =	vld [tilespmem:s29+$0xFFFFFFA0];
	[tilespmem:s26+$0x10] =	vst v0;
	v0 =	vadd.f32 v5, v3  }
0x4d: {  	v3 =	vld [tilespmem:s29+$0x20]  }
0x4e: {  	v5 =	vld [tilespmem:s29+$0xFFFFFFB0];
	[tilespmem:s26+$0x20] =	vst v0  }
0x4f: {  	v0 =	vld.idx.msk [tilespmem:v8+s2+$0x0], $0xffff  }
0x50: {  	v7 =	vld.idx.msk [tilespmem:v7+s14+$0x0], $0xffff  }
0x51: {  	v8 =	vld [tilespmem:s29+$0x30]  }
0x52: {  	v9 =	vld [tilespmem:s29+$0xFFFFFFC0]  }
0x53: {  	v10 =	vld [tilespmem:s29+$0x40]  }
0x54: {  	v11 =	vld [tilespmem:s29+$0xFFFFFFD0]  }
0x55: {  	v12 =	vld [tilespmem:s29+$0x50]  }
0x56: {  	v0 =	vadd.f32 v7, v0;
	v13 =	vld [tilespmem:s29+$0xFFFFFFE0]  }
0x57: {  	s26 =	sadd.s32 $0x80, s26;
	v14 =	vld [tilespmem:s29+$0x60]  }
0x58: {  	v7 =	vld [tilespmem:s29+$0xFFFFFF80];
	[tilespmem:s26+$0x30] =	vst v0  }
0x59: {  	v15 =	vld.idx.msk [tilespmem:v2+s14+$0x0], $0xffff  }
0x5a: {  	v0 =	vld.idx.msk [tilespmem:v6+s2+$0x0], $0xffff  }
0x5b: {  	v1 =	vld.idx.msk [tilespmem:v1+s14+$0x0], $0xffff  }
0x5c: {  	v4 =	vld.idx.msk [tilespmem:v4+s2+$0x0], $0xffff  }
0x5d: {  	v3 =	vld.idx.msk [tilespmem:v3+s14+$0x0], $0xffff  }
0x5e: {  	v5 =	vld.idx.msk [tilespmem:v5+s2+$0x0], $0xffff  }
0x5f: {  	v6 =	vld.idx.msk [tilespmem:v8+s14+$0x0], $0xffff  }
0x60: {  	v8 =	vld.idx.msk [tilespmem:v7+s2+$0x0], $0xffff  }
0x61: {  	v1 =	vadd.f32 v1, v0;
	v0 =	vld.idx.msk [tilespmem:v9+s2+$0x0], $0xffff  }
.Ltmp0:
0x62: {  	v2 =	vld.idx.msk [tilespmem:v10+s14+$0x0], $0xffff;
	(pc) =	sbr.rel @p1 .LBB2_2-.Ltmp0, $4  }
0x63: {  	v3 =	vadd.f32 v3, v4;
	[tilespmem:s26+$0xFFFFFFD0] =	vst v1;
	v1 =	vld.idx.msk [tilespmem:v11+s2+$0x0], $0xffff  }
0x64: {  	v4 =	vld.idx.msk [tilespmem:v12+s14+$0x0], $0xffff  }
0x65: {  	v7 =	vadd.f32 v6, v5;
	[tilespmem:s26+$0xFFFFFFE0] =	vst v3;
	v3 =	vld.idx.msk [tilespmem:v13+s2+$0x0], $0xffff  }
0x66: {  	s29 =	sadd.s32 $0x100, s29;
	v6 =	vadd.f32 v15, v8;
	v5 =	vld.idx.msk [tilespmem:v14+s14+$0x0], $0xffff  }
0x67: {  	_ =	sdelay $0x1  }
0x68: {  	[tilespmem:s26+$0xFFFFFFF0] =	vst v7;
	v0 =	vadd.f32 v2, v0  }
0x69: {  	[tilespmem:s26+$0xFFFFFFC0] =	vst v6;
	v1 =	vadd.f32 v4, v1  }
0x6a: {  	[tilespmem:s26+$0x0] =	vst v0;
	v0 =	vadd.f32 v5, v3  }
0x6b: {  	[tilespmem:s26+$0x10] =	vst v1  }
0x6c: {  	[tilespmem:s26+$0x20] =	vst v0  }
0x6d: {  	[hbm4b:s8+s2] =	stream.linear.scatter [tilespmem:s20], [sflag:$0x5], $0xD00, $0x38;
	[tilespmem:$0x9E80] =	vst v63  }
0x6e: {  	_ =	swait.ge [sflag:s21], $0x1A00  }
0x6f: {  	[sflag:s21] =	ssyncset.done $0x0  }
0x70: {  	s31 =	simm.s32 $0x6980;
	[sflag:s21] =	ssyncadd.s32 $0xFFFFE600  }
0x71: {  	[tilespmem:s15], [sflag:$0x3] =	stream.linear.gather [hbm4b:s9+s2], $0x1A00, $0x38;
	[tilespmem:$0x9E80] =	vst v63  }
0x72: {  	v0 =	vld [tilespmem:s31+$0xFFFFFFF0]  }
0x73: {  	v1 =	vld [tilespmem:s31+$0x70]  }
0x74: {  	v2 =	vld [tilespmem:s31+$0x0]  }
0x75: {  	v3 =	vld [tilespmem:s31+$0xFFFFFF90]  }
0x76: {  	v4 =	vld [tilespmem:s31+$0x10]  }
0x77: {  	v5 =	vld [tilespmem:s31+$0xFFFFFFA0]  }
0x78: {  	v6 =	vld [tilespmem:s31+$0x20]  }
0x79: {  	v7 =	vld [tilespmem:s31+$0xFFFFFFB0]  }
0x7a: {  	v9 =	vld [tilespmem:s31+$0xFFFFFFC0]  }
0x7b: {  	v10 =	vld [tilespmem:s31+$0x40]  }
0x7c: {  	v11 =	vld [tilespmem:s31+$0xFFFFFFD0]  }
0x7d: {  	v12 =	vld [tilespmem:s31+$0x50]  }
0x7e: {  	v13 =	vld [tilespmem:s31+$0xFFFFFFE0]  }
0x7f: {  	v14 =	vld [tilespmem:s31+$0x60]  }
0x80: {  	v15 =	vld [tilespmem:s31+$0xFFFFFF80]  }
0x81: {  	v8 =	vld.idx.msk [tilespmem:v0+s2+$0x0], $0xffff  }
0x82: {  	v1 =	vld.idx.msk [tilespmem:v1+s14+$0x0], $0xffff  }
0x83: {  	v0 =	vld [tilespmem:s31+$0x30]  }
0x84: {  	v16 =	vld.idx.msk [tilespmem:v2+s14+$0x0], $0xffff  }
0x85: {  	v3 =	vld.idx.msk [tilespmem:v3+s2+$0x0], $0xffff  }
0x86: {  	v4 =	vld.idx.msk [tilespmem:v4+s14+$0x0], $0xffff  }
0x87: {  	v5 =	vld.idx.msk [tilespmem:v5+s2+$0x0], $0xffff  }
0x88: {  	v6 =	vld.idx.msk [tilespmem:v6+s14+$0x0], $0xffff  }
0x89: {  	v7 =	vld.idx.msk [tilespmem:v7+s2+$0x0], $0xffff  }
0x8a: {  	v15 =	vld.idx.msk [tilespmem:v15+s2+$0x0], $0xffff  }
0x8b: {  	v17 =	vld.idx.msk [tilespmem:v0+s14+$0x0], $0xffff  }
0x8c: {  	v2 =	vld.idx.msk [tilespmem:v10+s14+$0x0], $0xffff  }
0x8d: {  	v8 =	vadd.f32 v1, v8;
	v1 =	vld.idx.msk [tilespmem:v11+s2+$0x0], $0xffff  }
0x8e: {  	s26 =	simm.s32 $0x9140;
	v3 =	vadd.f32 v4, v3;
	v0 =	vld.idx.msk [tilespmem:v9+s2+$0x0], $0xffff  }
0x8f: {  	v5 =	vadd.f32 v6, v5;
	v4 =	vld.idx.msk [tilespmem:v12+s14+$0x0], $0xffff;
	[tilespmem:s26+$0x30] =	vst v8  }
0x90: {  	[tilespmem:s26+$0xFFFFFFD0] =	vst v3;
	v3 =	vld.idx.msk [tilespmem:v13+s2+$0x0], $0xffff;
	v7 =	vadd.f32 v17, v7  }
0x91: {  	s28 =	simm.s32 $0x0;
	s29 =	simm.s32 $0x6A80;
	v6 =	vadd.f32 v16, v15;
	[tilespmem:s26+$0xFFFFFFE0] =	vst v5;
	v5 =	vld.idx.msk [tilespmem:v14+s14+$0x0], $0xffff  }
.LBB2_4:
0x92: {  	v8 =	vld [tilespmem:s29+$0xFFFFFFF0];
	[tilespmem:s26+$0xFFFFFFF0] =	vst v7  }
0x93: {  	s28 =	sadd.s32 $0x80, s28;
	v0 =	vadd.f32 v2, v0;
	v7 =	vld [tilespmem:s29+$0x70];
	[tilespmem:s26+$0xFFFFFFC0] =	vst v6  }
0x94: {  	p1 =	slt.u32 s28, $0xC80;
	v2 =	vld [tilespmem:s29+$0x0]  }
0x95: {  	v6 =	vld [tilespmem:s29+$0xFFFFFF90];
	[tilespmem:s26+$0x0] =	vst v0;
	v0 =	vadd.f32 v4, v1  }
0x96: {  	v1 =	vld [tilespmem:s29+$0x10]  }
0x97: {  	v4 =	vld [tilespmem:s29+$0xFFFFFFA0];
	[tilespmem:s26+$0x10] =	vst v0;
	v0 =	vadd.f32 v5, v3  }
0x98: {  	v3 =	vld [tilespmem:s29+$0x20]  }
0x99: {  	v5 =	vld [tilespmem:s29+$0xFFFFFFB0];
	[tilespmem:s26+$0x20] =	vst v0  }
0x9a: {  	v0 =	vld.idx.msk [tilespmem:v8+s2+$0x0], $0xffff  }
0x9b: {  	v7 =	vld.idx.msk [tilespmem:v7+s14+$0x0], $0xffff  }
0x9c: {  	v8 =	vld [tilespmem:s29+$0x30]  }
0x9d: {  	v9 =	vld [tilespmem:s29+$0xFFFFFFC0]  }
0x9e: {  	v10 =	vld [tilespmem:s29+$0x40]  }
0x9f: {  	v11 =	vld [tilespmem:s29+$0xFFFFFFD0]  }
0xa0: {  	v12 =	vld [tilespmem:s29+$0x50]  }
0xa1: {  	v0 =	vadd.f32 v7, v0;
	v13 =	vld [tilespmem:s29+$0xFFFFFFE0]  }
0xa2: {  	s26 =	sadd.s32 $0x80, s26;
	v14 =	vld [tilespmem:s29+$0x60]  }
0xa3: {  	v7 =	vld [tilespmem:s29+$0xFFFFFF80];
	[tilespmem:s26+$0x30] =	vst v0  }
0xa4: {  	v15 =	vld.idx.msk [tilespmem:v2+s14+$0x0], $0xffff  }
0xa5: {  	v0 =	vld.idx.msk [tilespmem:v6+s2+$0x0], $0xffff  }
0xa6: {  	v1 =	vld.idx.msk [tilespmem:v1+s14+$0x0], $0xffff  }
0xa7: {  	v4 =	vld.idx.msk [tilespmem:v4+s2+$0x0], $0xffff  }
0xa8: {  	v3 =	vld.idx.msk [tilespmem:v3+s14+$0x0], $0xffff  }
0xa9: {  	v5 =	vld.idx.msk [tilespmem:v5+s2+$0x0], $0xffff  }
0xaa: {  	v6 =	vld.idx.msk [tilespmem:v8+s14+$0x0], $0xffff  }
0xab: {  	v8 =	vld.idx.msk [tilespmem:v7+s2+$0x0], $0xffff  }
0xac: {  	v1 =	vadd.f32 v1, v0;
	v0 =	vld.idx.msk [tilespmem:v9+s2+$0x0], $0xffff  }
.Ltmp1:
0xad: {  	v2 =	vld.idx.msk [tilespmem:v10+s14+$0x0], $0xffff;
	(pc) =	sbr.rel @p1 .LBB2_4-.Ltmp1, $4  }
0xae: {  	v3 =	vadd.f32 v3, v4;
	[tilespmem:s26+$0xFFFFFFD0] =	vst v1;
	v1 =	vld.idx.msk [tilespmem:v11+s2+$0x0], $0xffff  }
0xaf: {  	v4 =	vld.idx.msk [tilespmem:v12+s14+$0x0], $0xffff  }
0xb0: {  	v7 =	vadd.f32 v6, v5;
	[tilespmem:s26+$0xFFFFFFE0] =	vst v3;
	v3 =	vld.idx.msk [tilespmem:v13+s2+$0x0], $0xffff  }
0xb1: {  	s29 =	sadd.s32 $0x100, s29;
	v6 =	vadd.f32 v15, v8;
	v5 =	vld.idx.msk [tilespmem:v14+s14+$0x0], $0xffff  }
0xb2: {  	_ =	sdelay $0x1  }
0xb3: {  	[tilespmem:s26+$0xFFFFFFF0] =	vst v7;
	v0 =	vadd.f32 v2, v0  }
0xb4: {  	[tilespmem:s26+$0xFFFFFFC0] =	vst v6;
	v1 =	vadd.f32 v4, v1  }
0xb5: {  	[tilespmem:s26+$0x0] =	vst v0;
	v0 =	vadd.f32 v5, v3  }
0xb6: {  	[tilespmem:s26+$0x10] =	vst v1  }
0xb7: {  	[tilespmem:s26+$0x20] =	vst v0  }
0xb8: {  	[hbm4b:s10+s2] =	stream.linear.scatter [tilespmem:s22], [sflag:$0x6], $0xD00, $0x38;
	[tilespmem:$0x9E80] =	vst v63  }
0xb9: {  	_ =	swait.ge [sflag:s19], $0x1A00  }
0xba: {  	[sflag:s19] =	ssyncset.done $0x0  }
0xbb: {  	[sflag:s19] =	ssyncadd.s32 $0xFFFFE600  }
0xbc: {  	_ =	swait.ge [sflag:s23], $0xD00  }
0xbd: {  	[sflag:s23] =	ssyncset.done $0x0  }
0xbe: {  	s31 =	simm.s32 $0x4F80;
	[sflag:s23] =	ssyncadd.s32 $0xFFFFF300  }
0xbf: {  	v0 =	vld [tilespmem:s31+$0xFFFFFFF0]  }
0xc0: {  	v1 =	vld [tilespmem:s31+$0x70]  }
0xc1: {  	v2 =	vld [tilespmem:s31+$0x0]  }
0xc2: {  	v3 =	vld [tilespmem:s31+$0xFFFFFF90]  }
0xc3: {  	v4 =	vld [tilespmem:s31+$0x10]  }
0xc4: {  	v5 =	vld [tilespmem:s31+$0xFFFFFFA0]  }
0xc5: {  	v6 =	vld [tilespmem:s31+$0x20]  }
0xc6: {  	v7 =	vld [tilespmem:s31+$0xFFFFFFB0]  }
0xc7: {  	v9 =	vld [tilespmem:s31+$0xFFFFFFC0]  }
0xc8: {  	v10 =	vld [tilespmem:s31+$0x40]  }
0xc9: {  	v11 =	vld [tilespmem:s31+$0xFFFFFFD0]  }
0xca: {  	v12 =	vld [tilespmem:s31+$0x50]  }
0xcb: {  	v13 =	vld [tilespmem:s31+$0xFFFFFFE0]  }
0xcc: {  	v14 =	vld [tilespmem:s31+$0x60]  }
0xcd: {  	v15 =	vld [tilespmem:s31+$0xFFFFFF80]  }
0xce: {  	v8 =	vld.idx.msk [tilespmem:v0+s2+$0x0], $0xffff  }
0xcf: {  	v1 =	vld.idx.msk [tilespmem:v1+s14+$0x0], $0xffff  }
0xd0: {  	v0 =	vld [tilespmem:s31+$0x30]  }
0xd1: {  	v16 =	vld.idx.msk [tilespmem:v2+s14+$0x0], $0xffff  }
0xd2: {  	v3 =	vld.idx.msk [tilespmem:v3+s2+$0x0], $0xffff  }
0xd3: {  	v4 =	vld.idx.msk [tilespmem:v4+s14+$0x0], $0xffff  }
0xd4: {  	v5 =	vld.idx.msk [tilespmem:v5+s2+$0x0], $0xffff  }
0xd5: {  	v6 =	vld.idx.msk [tilespmem:v6+s14+$0x0], $0xffff  }
0xd6: {  	v7 =	vld.idx.msk [tilespmem:v7+s2+$0x0], $0xffff  }
0xd7: {  	v15 =	vld.idx.msk [tilespmem:v15+s2+$0x0], $0xffff  }
0xd8: {  	v17 =	vld.idx.msk [tilespmem:v0+s14+$0x0], $0xffff  }
0xd9: {  	v2 =	vld.idx.msk [tilespmem:v10+s14+$0x0], $0xffff  }
0xda: {  	v8 =	vadd.f32 v1, v8;
	v1 =	vld.idx.msk [tilespmem:v11+s2+$0x0], $0xffff  }
0xdb: {  	s26 =	simm.s32 $0x8440;
	v3 =	vadd.f32 v4, v3;
	v0 =	vld.idx.msk [tilespmem:v9+s2+$0x0], $0xffff  }
0xdc: {  	v5 =	vadd.f32 v6, v5;
	v4 =	vld.idx.msk [tilespmem:v12+s14+$0x0], $0xffff;
	[tilespmem:s26+$0x30] =	vst v8  }
0xdd: {  	[tilespmem:s26+$0xFFFFFFD0] =	vst v3;
	v3 =	vld.idx.msk [tilespmem:v13+s2+$0x0], $0xffff;
	v7 =	vadd.f32 v17, v7  }
0xde: {  	s28 =	simm.s32 $0x0;
	s29 =	simm.s32 $0x5080;
	v6 =	vadd.f32 v16, v15;
	[tilespmem:s26+$0xFFFFFFE0] =	vst v5;
	v5 =	vld.idx.msk [tilespmem:v14+s14+$0x0], $0xffff  }
.LBB2_6:
0xdf: {  	v8 =	vld [tilespmem:s29+$0xFFFFFFF0];
	[tilespmem:s26+$0xFFFFFFF0] =	vst v7  }
0xe0: {  	s28 =	sadd.s32 $0x80, s28;
	v0 =	vadd.f32 v2, v0;
	v7 =	vld [tilespmem:s29+$0x70];
	[tilespmem:s26+$0xFFFFFFC0] =	vst v6  }
0xe1: {  	p1 =	slt.u32 s28, $0xC80;
	v2 =	vld [tilespmem:s29+$0x0]  }
0xe2: {  	v6 =	vld [tilespmem:s29+$0xFFFFFF90];
	[tilespmem:s26+$0x0] =	vst v0;
	v0 =	vadd.f32 v4, v1  }
0xe3: {  	v1 =	vld [tilespmem:s29+$0x10]  }
0xe4: {  	v4 =	vld [tilespmem:s29+$0xFFFFFFA0];
	[tilespmem:s26+$0x10] =	vst v0;
	v0 =	vadd.f32 v5, v3  }
0xe5: {  	v3 =	vld [tilespmem:s29+$0x20]  }
0xe6: {  	v5 =	vld [tilespmem:s29+$0xFFFFFFB0];
	[tilespmem:s26+$0x20] =	vst v0  }
0xe7: {  	v0 =	vld.idx.msk [tilespmem:v8+s2+$0x0], $0xffff  }
0xe8: {  	v7 =	vld.idx.msk [tilespmem:v7+s14+$0x0], $0xffff  }
0xe9: {  	v8 =	vld [tilespmem:s29+$0x30]  }
0xea: {  	v9 =	vld [tilespmem:s29+$0xFFFFFFC0]  }
0xeb: {  	v10 =	vld [tilespmem:s29+$0x40]  }
0xec: {  	v11 =	vld [tilespmem:s29+$0xFFFFFFD0]  }
0xed: {  	v12 =	vld [tilespmem:s29+$0x50]  }
0xee: {  	v0 =	vadd.f32 v7, v0;
	v13 =	vld [tilespmem:s29+$0xFFFFFFE0]  }
0xef: {  	s26 =	sadd.s32 $0x80, s26;
	v14 =	vld [tilespmem:s29+$0x60]  }
0xf0: {  	v7 =	vld [tilespmem:s29+$0xFFFFFF80];
	[tilespmem:s26+$0x30] =	vst v0  }
0xf1: {  	v15 =	vld.idx.msk [tilespmem:v2+s14+$0x0], $0xffff  }
0xf2: {  	v0 =	vld.idx.msk [tilespmem:v6+s2+$0x0], $0xffff  }
0xf3: {  	v1 =	vld.idx.msk [tilespmem:v1+s14+$0x0], $0xffff  }
0xf4: {  	v4 =	vld.idx.msk [tilespmem:v4+s2+$0x0], $0xffff  }
0xf5: {  	v3 =	vld.idx.msk [tilespmem:v3+s14+$0x0], $0xffff  }
0xf6: {  	v5 =	vld.idx.msk [tilespmem:v5+s2+$0x0], $0xffff  }
0xf7: {  	v6 =	vld.idx.msk [tilespmem:v8+s14+$0x0], $0xffff  }
0xf8: {  	v8 =	vld.idx.msk [tilespmem:v7+s2+$0x0], $0xffff  }
0xf9: {  	v1 =	vadd.f32 v1, v0;
	v0 =	vld.idx.msk [tilespmem:v9+s2+$0x0], $0xffff  }
.Ltmp2:
0xfa: {  	v2 =	vld.idx.msk [tilespmem:v10+s14+$0x0], $0xffff;
	(pc) =	sbr.rel @p1 .LBB2_6-.Ltmp2, $4  }
0xfb: {  	v3 =	vadd.f32 v3, v4;
	[tilespmem:s26+$0xFFFFFFD0] =	vst v1;
	v1 =	vld.idx.msk [tilespmem:v11+s2+$0x0], $0xffff  }
0xfc: {  	v4 =	vld.idx.msk [tilespmem:v12+s14+$0x0], $0xffff  }
0xfd: {  	v7 =	vadd.f32 v6, v5;
	[tilespmem:s26+$0xFFFFFFE0] =	vst v3;
	v3 =	vld.idx.msk [tilespmem:v13+s2+$0x0], $0xffff  }
0xfe: {  	s29 =	sadd.s32 $0x100, s29;
	v6 =	vadd.f32 v15, v8;
	v5 =	vld.idx.msk [tilespmem:v14+s14+$0x0], $0xffff  }
0xff: {  	_ =	sdelay $0x1  }
0x100: {  	[tilespmem:s26+$0xFFFFFFF0] =	vst v7;
	v0 =	vadd.f32 v2, v0  }
0x101: {  	[tilespmem:s26+$0xFFFFFFC0] =	vst v6;
	v1 =	vadd.f32 v4, v1  }
0x102: {  	[tilespmem:s26+$0x0] =	vst v0;
	v63 =	vadd.f32 v5, v3  }
0x103: {  	[tilespmem:s26+$0x10] =	vst v1  }
0x104: {  	[tilespmem:s26+$0x20] =	vst v63;
	s26 =	simm.s32 @!p0 $0x7  }
0x105: {  	[hbm4b:s11+s2] =	stream.linear.scatter [tilespmem:s20], [sflag:$0x5], $0xD00, $0x38;
	[tilespmem:$0x9E80] =	vst v63  }
0x106: {  	_ =	swait.ge @!p0 [sflag:s26], $0x100  }
0x107: {  	[sflag:s26] =	ssyncset.done @!p0 $0x0  }
0x108: {  	[sflag:s26] =	ssyncadd.s32 @!p0 $0xFFFFFF00  }
0x109: {  	v0 =	vld @!p0 [tilespmem:$0x8300]  }
0x10a: {  	v1 =	vld @!p0 [tilespmem:$0x8380]  }
0x10b: {  	v2 =	vld @!p0 [tilespmem:$0x8310]  }
0x10c: {  	v3 =	vld @!p0 [tilespmem:$0x8390]  }
0x10d: {  	v4 =	vld @!p0 [tilespmem:$0x8320]  }
0x10e: {  	v5 =	vld @!p0 [tilespmem:$0x83A0]  }
0x10f: {  	v6 =	vld @!p0 [tilespmem:$0x8330]  }
0x110: {  	v7 =	vld @!p0 [tilespmem:$0x83B0]  }
0x111: {  	v8 =	vld @!p0 [tilespmem:$0x8340]  }
0x112: {  	v9 =	vld @!p0 [tilespmem:$0x83C0]  }
0x113: {  	v10 =	vld @!p0 [tilespmem:$0x8350]  }
0x114: {  	v11 =	vld @!p0 [tilespmem:$0x83D0]  }
0x115: {  	v12 =	vld @!p0 [tilespmem:$0x8360]  }
0x116: {  	v13 =	vld @!p0 [tilespmem:$0x83E0]  }
0x117: {  	v14 =	vld @!p0 [tilespmem:$0x8370]  }
0x118: {  	s26 =	simm.s32 @!p0 $0x0;
	v15 =	vld @!p0 [tilespmem:$0x83F0]  }
0x119: {  	s28 =	simm.s32 @!p0 $0x2780;
	v0 =	vld.idx.msk @!p0 [tilespmem:v0+s26+$0x0], $0xffff  }
0x11a: {  	v1 =	vld.idx.msk @!p0 [tilespmem:v1+s28+$0x0], $0xffff  }
0x11b: {  	v2 =	vld.idx.msk @!p0 [tilespmem:v2+s26+$0x0], $0xffff  }
0x11c: {  	v3 =	vld.idx.msk @!p0 [tilespmem:v3+s28+$0x0], $0xffff  }
0x11d: {  	v4 =	vld.idx.msk @!p0 [tilespmem:v4+s26+$0x0], $0xffff  }
0x11e: {  	v5 =	vld.idx.msk @!p0 [tilespmem:v5+s28+$0x0], $0xffff  }
0x11f: {  	v6 =	vld.idx.msk @!p0 [tilespmem:v6+s26+$0x0], $0xffff  }
0x120: {  	v7 =	vld.idx.msk @!p0 [tilespmem:v7+s28+$0x0], $0xffff  }
0x121: {  	v8 =	vld.idx.msk @!p0 [tilespmem:v8+s26+$0x0], $0xffff  }
0x122: {  	v9 =	vld.idx.msk @!p0 [tilespmem:v9+s28+$0x0], $0xffff  }
0x123: {  	v10 =	vld.idx.msk @!p0 [tilespmem:v10+s26+$0x0], $0xffff  }
0x124: {  	v11 =	vld.idx.msk @!p0 [tilespmem:v11+s28+$0x0], $0xffff  }
0x125: {  	v12 =	vld.idx.msk @!p0 [tilespmem:v12+s26+$0x0], $0xffff  }
0x126: {  	v0 =	vadd.f32 @!p0 v1, v0;
	v1 =	vld.idx.msk @!p0 [tilespmem:v13+s28+$0x0], $0xffff  }
0x127: {  	v2 =	vadd.f32 @!p0 v3, v2;
	v3 =	vld.idx.msk @!p0 [tilespmem:v14+s26+$0x0], $0xffff  }
0x128: {  	[tilespmem:$0x9E00] =	vst @!p0 v0;
	v0 =	vadd.f32 @!p0 v5, v4;
	v4 =	vld.idx.msk @!p0 [tilespmem:v15+s28+$0x0], $0xffff  }
0x129: {  	[tilespmem:$0x9E10] =	vst @!p0 v2;
	v2 =	vadd.f32 @!p0 v7, v6  }
0x12a: {  	[tilespmem:$0x9E20] =	vst @!p0 v0;
	v0 =	vadd.f32 @!p0 v9, v8  }
0x12b: {  	[tilespmem:$0x9E30] =	vst @!p0 v2;
	v2 =	vadd.f32 @!p0 v11, v10  }
0x12c: {  	[tilespmem:$0x9E40] =	vst @!p0 v0;
	v0 =	vadd.f32 @!p0 v1, v12  }
0x12d: {  	[tilespmem:$0x9E50] =	vst @!p0 v2;
	v1 =	vadd.f32 @!p0 v4, v3  }
0x12e: {  	[tilespmem:$0x9E60] =	vst @!p0 v0  }
0x12f: {  	s28 =	simm.s32 @!p0 $0x9E00;
	[tilespmem:$0x9E70] =	vst @!p0 v1  }
0x130: {  	[hbm4b:s12+s26] =	stream.linear.scatter @!p0 [tilespmem:s28], [sflag:$0x8], $0x80, $0x38;
	[tilespmem:$0x9E80] =	vst v63  }
0x131: {  	s26 =	simm.s32 @!p0 $0x8  }
0x132: {  	_ =	swait.ge @!p0 [sflag:s26], $0x80  }
0x133: {  	[sflag:s26] =	ssyncset.done @!p0 $0x0  }
0x134: {  	s25 =	sadd.s32 $0x1, s25;
	[sflag:s26] =	ssyncadd.s32 @!p0 $0xFFFFFF80  }
0x135: {  	p1 =	sne.s32 s25, s13;
	_ =	swait.ge [sflag:s24], $0xD00  }
.Ltmp3:
0x136: {  	[sflag:s24] =	ssyncset.done $0x0;
	(pc) =	sbr.rel @p1 .LBB2_1-.Ltmp3, $4  }
0x137: {  	[sflag:s24] =	ssyncadd.s32 $0xFFFFF300  }
0x138: {  	_ =	swait.ge [sflag:s23], $0xD00  }
0x139: {  	[sflag:s23] =	ssyncset.done $0x0  }
0x13a: {  	[sflag:s23] =	ssyncadd.s32 $0xFFFFF300  }
0x13b: {  	_ =	sfence.sel $0x180000  }
0x13c: {  	[bflag:$0x0] =	sbarrier.arrive $0xFFFF  }
0x13d: {  	p0 =	sne.s32 s0, $0x0;
	_ =	strace $0x90000047  }
0x13e: {  	s0 =	sadd.s32 @!p0 $0x100000, s1;
	[bflag:$0x2] =	sbarrier.arrive $0xFFFF  }
0x13f: {  	[sflag:s0] =	ssyncadd.tile.s32 @!p0 $0x1;
	_ =	shalt  }
.Lfunc_end2:
_tile_overlayer_lowered:
.L_overlay_start_2:
0x140: {  	(tag) =	ssettag $0x2  }
0x141: {  	s0 =	rddreg [dreg:$0x0];
	s2 =	stileid.u32  }
0x142: {  	s1 =	rddreg [dreg:$0x1];
	p0 =	sne.s32 s2, $0x0  }
0x143: {  	s3 =	rddreg [dreg:$0x2];
	[bflag:$0x3] =	sbarrier.arrive $0xFFFF;
	s2 =	simm.s32 @!p0 $0x1C08  }
0x144: {  	[timem:s3], [sflag:s2] =	dma.local @!p0 [hbm:s0], s1  }
0x145: {  	s0 =	simm.s32 @!p0 $0x8  }
0x146: {  	_ =	swait.ge @!p0 [sflag:s0], s1  }
0x147: {  	s1 =	ssub.s32 @!p0 $0x0, s1;
	[sflag:s0] =	ssyncset.done @!p0 $0x0  }
0x148: {  	[sflag:s0] =	ssyncadd.s32 @!p0 s1  }
0x149: {  	[bflag:$0x3] =	sbarrier.arrive $0xFFFF  }
0x14a: {  	_ =	shalt  }

</sc_bundles>
